<compile_context>
chip_gen: v7x
topology: tpu7x:2x2x1
jax: 0.10.2.dev20260603
libtpu: 0.0.44.dev20260713+nightly
codegen_flags: <defaults>
</compile_context>

<pallas_src>
import functools

import jax
import jax.numpy as jnp
from jax import lax
from jax.experimental import pallas as pl
from jax.experimental.pallas import tpu as pltpu
from jax.experimental.pallas import tpu_sc as plsc

N = 10000
E = 160000
F = 128
BE = 16
D = 64
H = 128
N2 = 20000
A = 40000
E2 = 160000
G = 256
NI2 = 64
M1_IN, M1_OUT = F, D // 2
M2_IN, M2_OUT = D // 2, D

NC = 2
NS = 16
NW = NC * NS
LCH = 128

EP = 163840
NCH_E = EP // (NW * LCH)
AP = 40960
NCH_A = AP // (NW * LCH)
NP1 = 10240
NP2 = 20480

EB = 640
NBLK = EP // EB
NBLK_VALID = E // EB
PB = 2000



def _sc_mesh():
    return plsc.VectorSubcoreMesh(core_axis_name="c", subcore_axis_name="s")


@functools.partial(jax.jit, static_argnames=("nch", "width"))
def _sc_gather(table, idx3, *, nch, width):
    nrows = NW * nch * LCH

    def body(table_ref, idx_ref, out_ref, idx_v, r0, r1, r2, r3, g0, g1, g2, g3):
        c = lax.axis_index("c")
        s = lax.axis_index("s")
        wid = s * NC + c
        base = wid * nch * LCH
        rows = [r0, r1, r2, r3]
        sg = [g0, g1, g2, g3]
        pltpu.sync_copy(idx_ref.at[wid], idx_v)
        for b in range(4):
            pltpu.async_copy(table_ref.at[idx_v.at[b]], rows[b], sg[b])

        def quad(j4, carry):
            j = 4 * j4
            for b in range(4):
                pltpu.make_async_copy(table_ref.at[idx_v.at[j + b]], rows[b], sg[b]).wait()
                pltpu.sync_copy(rows[b], out_ref.at[pl.ds(base + (j + b) * LCH, LCH)])

                @pl.when(j + b + 4 < nch)
                def _():
                    pltpu.async_copy(table_ref.at[idx_v.at[j + b + 4]], rows[b], sg[b])
            return carry

        lax.fori_loop(0, nch // 4, quad, 0)

    return pl.kernel(
        body,
        out_type=jax.ShapeDtypeStruct((nrows, width), jnp.float32),
        mesh=_sc_mesh(),
        compiler_params=pltpu.CompilerParams(use_tc_tiling_on_sc=False),
        scratch_types=[
            pltpu.VMEM((nch, LCH), jnp.int32),
            pltpu.VMEM((LCH, width), jnp.float32),
            pltpu.VMEM((LCH, width), jnp.float32),
            pltpu.VMEM((LCH, width), jnp.float32),
            pltpu.VMEM((LCH, width), jnp.float32),
            pltpu.SemaphoreType.DMA,
            pltpu.SemaphoreType.DMA,
            pltpu.SemaphoreType.DMA,
            pltpu.SemaphoreType.DMA,
        ],
    )(table, idx3)


@functools.partial(jax.jit, static_argnames=("nch", "width", "npad"))
def _sc_scatter_add(data, idx3, zrow, *, nch, width, npad):
    nzc = npad // NS

    def body(data_ref, idx_ref, z_ref, out_ref, idx_v, rows0, rows1, acc, sg0, sg1):
        c = lax.axis_index("c")
        s = lax.axis_index("s")
        wid = s * NC + c
        pltpu.sync_copy(idx_ref.at[wid], idx_v)
        pltpu.sync_copy(z_ref, acc.at[pl.ds(s * nzc, nzc)])
        plsc.subcore_barrier()

        base = wid * nch * LCH
        pltpu.async_copy(data_ref.at[pl.ds(base, LCH)], rows0, sg0)

        def pair(j2, carry):
            j = 2 * j2
            pltpu.async_copy(data_ref.at[pl.ds(base + (j + 1) * LCH, LCH)], rows1, sg1)
            pltpu.make_async_copy(data_ref.at[pl.ds(base + j * LCH, LCH)], rows0, sg0).wait()
            pltpu.sync_copy(rows0, acc.at[idx_v.at[j]], add=True)

            @pl.when(j2 + 1 < nch // 2)
            def _():
                pltpu.async_copy(data_ref.at[pl.ds(base + (j + 2) * LCH, LCH)], rows0, sg0)

            pltpu.make_async_copy(data_ref.at[pl.ds(base + (j + 1) * LCH, LCH)], rows1, sg1).wait()
            pltpu.sync_copy(rows1, acc.at[idx_v.at[j + 1]], add=True)
            return carry

        lax.fori_loop(0, nch // 2, pair, 0)
        plsc.subcore_barrier()
        pltpu.sync_copy(acc.at[pl.ds(s * nzc, nzc)],
                        out_ref.at[pl.ds(c * npad + s * nzc, nzc)])

    return pl.kernel(
        body,
        out_type=jax.ShapeDtypeStruct((NC * npad, width), jnp.float32),
        mesh=_sc_mesh(),
        compiler_params=pltpu.CompilerParams(use_tc_tiling_on_sc=False),
        scratch_types=[
            pltpu.VMEM((nch, LCH), jnp.int32),
            pltpu.VMEM((LCH, width), jnp.float32),
            pltpu.VMEM((LCH, width), jnp.float32),
            pltpu.VMEM_SHARED((npad, width), jnp.float32),
            pltpu.SemaphoreType.DMA,
            pltpu.SemaphoreType.DMA,
        ],
    )(data, idx3, zrow)


@functools.partial(jax.jit, static_argnames=("nch", "width", "npad"))
def _sc_gather_scatter(table, gidx3, sidx3, zrow, *, nch, width, npad):
    nzc = npad // NS

    def body(table_ref, gidx_ref, sidx_ref, z_ref, out_ref,
             gidx_v, sidx_v, rows0, rows1, rows2, rows3, acc, sg0, sg1, sg2, sg3):
        c = lax.axis_index("c")
        s = lax.axis_index("s")
        wid = s * NC + c
        pltpu.sync_copy(gidx_ref.at[wid], gidx_v)
        pltpu.sync_copy(sidx_ref.at[wid], sidx_v)
        pltpu.sync_copy(z_ref, acc.at[pl.ds(s * nzc, nzc)])
        plsc.subcore_barrier()

        rows = [rows0, rows1, rows2, rows3]
        sg = [sg0, sg1, sg2, sg3]
        for b in range(4):
            pltpu.async_copy(table_ref.at[gidx_v.at[b]], rows[b], sg[b])

        def quad(j4, carry):
            j = 4 * j4
            for b in range(4):
                pltpu.make_async_copy(table_ref.at[gidx_v.at[j + b]], rows[b], sg[b]).wait()
                pltpu.sync_copy(rows[b], acc.at[sidx_v.at[j + b]], add=True)

                @pl.when(j + b + 4 < nch)
                def _():
                    pltpu.async_copy(table_ref.at[gidx_v.at[j + b + 4]], rows[b], sg[b])
            return carry

        lax.fori_loop(0, nch // 4, quad, 0)
        plsc.subcore_barrier()
        pltpu.sync_copy(acc.at[pl.ds(s * nzc, nzc)],
                        out_ref.at[pl.ds(c * npad + s * nzc, nzc)])

    return pl.kernel(
        body,
        out_type=jax.ShapeDtypeStruct((NC * npad, width), jnp.float32),
        mesh=_sc_mesh(),
        compiler_params=pltpu.CompilerParams(use_tc_tiling_on_sc=False),
        scratch_types=[
            pltpu.VMEM((nch, LCH), jnp.int32),
            pltpu.VMEM((nch, LCH), jnp.int32),
            pltpu.VMEM((LCH, width), jnp.float32),
            pltpu.VMEM((LCH, width), jnp.float32),
            pltpu.VMEM((LCH, width), jnp.float32),
            pltpu.VMEM((LCH, width), jnp.float32),
            pltpu.VMEM_SHARED((npad, width), jnp.float32),
            pltpu.SemaphoreType.DMA,
            pltpu.SemaphoreType.DMA,
            pltpu.SemaphoreType.DMA,
            pltpu.SemaphoreType.DMA,
        ],
    )(table, gidx3, sidx3, zrow)


@jax.jit
def _sc_pool2(table, gidx3, sidx3, ones_in, z64, z16):
    nch = NCH_A
    npad = NP2
    nzc = npad // NS

    def body(table_ref, gidx_ref, sidx_ref, ones_ref, z64_ref, z16_ref,
             sum_ref, cnt_ref, gidx_v, sidx_v, rows0, rows1, ones_v, acc, accc,
             sg0, sg1):
        c = lax.axis_index("c")
        s = lax.axis_index("s")
        wid = s * NC + c
        pltpu.sync_copy(gidx_ref.at[wid], gidx_v)
        pltpu.sync_copy(sidx_ref.at[wid], sidx_v)
        pltpu.sync_copy(ones_ref, ones_v)
        pltpu.sync_copy(z64_ref, acc.at[pl.ds(s * nzc, nzc)])
        pltpu.sync_copy(z16_ref, accc.at[pl.ds(s * nzc, nzc)])
        plsc.subcore_barrier()

        pltpu.async_copy(table_ref.at[gidx_v.at[0]], rows0, sg0)

        def pair(j2, carry):
            j = 2 * j2
            pltpu.async_copy(table_ref.at[gidx_v.at[j + 1]], rows1, sg1)
            pltpu.make_async_copy(table_ref.at[gidx_v.at[j]], rows0, sg0).wait()
            pltpu.sync_copy(rows0, acc.at[sidx_v.at[j]], add=True)
            pltpu.sync_copy(ones_v, accc.at[sidx_v.at[j]], add=True)

            @pl.when(j2 + 1 < nch // 2)
            def _():
                pltpu.async_copy(table_ref.at[gidx_v.at[j + 2]], rows0, sg0)

            pltpu.make_async_copy(table_ref.at[gidx_v.at[j + 1]], rows1, sg1).wait()
            pltpu.sync_copy(rows1, acc.at[sidx_v.at[j + 1]], add=True)
            pltpu.sync_copy(ones_v, accc.at[sidx_v.at[j + 1]], add=True)
            return carry

        lax.fori_loop(0, nch // 2, pair, 0)
        plsc.subcore_barrier()
        pltpu.sync_copy(acc.at[pl.ds(s * nzc, nzc)],
                        sum_ref.at[pl.ds(c * npad + s * nzc, nzc)])
        pltpu.sync_copy(accc.at[pl.ds(s * nzc, nzc)],
                        cnt_ref.at[pl.ds(c * npad + s * nzc, nzc)])

    return pl.kernel(
        body,
        out_type=(jax.ShapeDtypeStruct((NC * npad, D), jnp.float32),
                  jax.ShapeDtypeStruct((NC * npad, 16), jnp.float32)),
        mesh=_sc_mesh(),
        compiler_params=pltpu.CompilerParams(use_tc_tiling_on_sc=False),
        scratch_types=[
            pltpu.VMEM((nch, LCH), jnp.int32),
            pltpu.VMEM((nch, LCH), jnp.int32),
            pltpu.VMEM((LCH, D), jnp.float32),
            pltpu.VMEM((LCH, D), jnp.float32),
            pltpu.VMEM((LCH, 16), jnp.float32),
            pltpu.VMEM_SHARED((npad, D), jnp.float32),
            pltpu.VMEM_SHARED((npad, 16), jnp.float32),
            pltpu.SemaphoreType.DMA,
            pltpu.SemaphoreType.DMA,
        ],
    )(table, gidx3, sidx3, ones_in, z64, z16)



def _dot(a, b):
    return jnp.dot(a, b, preferred_element_type=jnp.float32)


def _blocksum(v, s):
    vh = v.astype(jnp.bfloat16)
    vl = (v - vh.astype(jnp.float32)).astype(jnp.bfloat16)
    return _dot(vh, s) + _dot(vl, s)


def _dot3(a, b):
    return _dot(a, b)


def _split_hi(v):
    vi = jax.lax.bitcast_convert_type(v, jnp.uint32)
    vh = jax.lax.bitcast_convert_type(vi & jnp.uint32(0xFFFF0000), jnp.float32)
    return vh, v - vh


def _blocksum(v, s):
    vh, vl = _split_hi(v)
    return _dot(vh, s) + _dot(vl, s)


def _edge1_body(nvalid, ea_ref, xs_ref, wa_ref, ba_ref, wr_ref, br_ref, s_ref, out_ref):
    i = pl.program_id(0)

    @pl.when(i < nvalid)
    def _():
        hb = EB // 2
        for p in range(2):
            r = pl.ds(p * hb, hb)
            h = jnp.maximum(_dot3(ea_ref[r, :], wa_ref[...]) + ba_ref[...], 0.0)
            u = _dot(h, wr_ref[...]) + br_ref[...]
            ub = u.astype(jnp.bfloat16).astype(jnp.float32)
            xb = xs_ref[r, :].astype(jnp.bfloat16).astype(jnp.float32)
            v = ub * jnp.tile(xb, (1, M1_OUT))
            out_ref[r, :] = _blocksum(v, s_ref[...])

    @pl.when(i >= nvalid)
    def _():
        out_ref[...] = jnp.zeros_like(out_ref)


@functools.partial(jax.jit, static_argnames=("nvalid", "nrows"))
def _edge1(ea, xs, wa, ba, wr, br, s, *, nvalid, nrows):
    return pl.pallas_call(
        functools.partial(_edge1_body, nvalid),
        grid=(nrows // EB,),
        in_specs=[
            pl.BlockSpec((EB, BE), lambda i: (i, 0)),
            pl.BlockSpec((EB, M1_IN), lambda i: (i, 0)),
            pl.BlockSpec((BE, H), lambda i: (0, 0)),
            pl.BlockSpec((1, H), lambda i: (0, 0)),
            pl.BlockSpec((H, M1_OUT * M1_IN), lambda i: (0, 0)),
            pl.BlockSpec((1, M1_OUT * M1_IN), lambda i: (0, 0)),
            pl.BlockSpec((M1_OUT * M1_IN, M1_OUT), lambda i: (0, 0)),
        ],
        out_specs=pl.BlockSpec((EB, M1_OUT), lambda i: (i, 0)),
        out_shape=jax.ShapeDtypeStruct((nrows, M1_OUT), jnp.float32),
    )(ea, xs, wa, ba, wr, br, s)


def _edge2_body(nvalid, ea_ref, xs_ref, wa_ref, ba_ref, wr_ref, br_ref, s_ref, out_ref):
    i = pl.program_id(0)

    @pl.when(i < nvalid)
    def _():
        hb = EB // 2
        for p in range(2):
            r = pl.ds(p * hb, hb)
            h = jnp.maximum(_dot3(ea_ref[r, :], wa_ref[...]) + ba_ref[...], 0.0)
            u = _dot(h, wr_ref[...]) + br_ref[...]
            ub = u.astype(jnp.bfloat16).astype(jnp.float32)
            xb = xs_ref[r, :].astype(jnp.bfloat16).astype(jnp.float32)
            v = ub * jnp.tile(xb, (1, M2_OUT))
            out_ref[r, :] = _blocksum(v, s_ref[...])

    @pl.when(i >= nvalid)
    def _():
        out_ref[...] = jnp.zeros_like(out_ref)


@functools.partial(jax.jit, static_argnames=("nvalid", "nrows"))
def _edge2(ea, xs, wa, ba, wr, br, s, *, nvalid, nrows):
    return pl.pallas_call(
        functools.partial(_edge2_body, nvalid),
        grid=(nrows // EB,),
        in_specs=[
            pl.BlockSpec((EB, BE), lambda i: (i, 0)),
            pl.BlockSpec((EB, M2_IN), lambda i: (i, 0)),
            pl.BlockSpec((BE, H), lambda i: (0, 0)),
            pl.BlockSpec((1, H), lambda i: (0, 0)),
            pl.BlockSpec((H, M2_OUT * M2_IN), lambda i: (0, 0)),
            pl.BlockSpec((1, M2_OUT * M2_IN), lambda i: (0, 0)),
            pl.BlockSpec((M2_OUT * M2_IN, M2_OUT), lambda i: (0, 0)),
        ],
        out_specs=pl.BlockSpec((EB, M2_OUT), lambda i: (i, 0)),
        out_shape=jax.ShapeDtypeStruct((nrows, M2_OUT), jnp.float32),
    )(ea, xs, wa, ba, wr, br, s)


def _node1_body(x_ref, wr_ref, agga_ref, aggb_ref, b_ref, out_ref):
    agg = (agga_ref[0:N, :] + agga_ref[NP1:NP1 + N, :]
           + aggb_ref[0:N, :] + aggb_ref[NP1:NP1 + N, :])
    out_ref[...] = jnp.maximum(_dot3(x_ref[...], wr_ref[...]) + agg + b_ref[...], 0.0)


@jax.jit
def _node1(x, wr, agga, aggb, b):
    return pl.pallas_call(
        _node1_body,
        out_shape=jax.ShapeDtypeStruct((N, M1_OUT), jnp.float32),
    )(x, wr, agga, aggb, b)


def _node2_body(x_ref, wr_ref, agga_ref, aggb_ref, b_ref, batch_ref, h_ref, x1_ref):
    agg = (agga_ref[0:N, :] + agga_ref[NP1:NP1 + N, :]
           + aggb_ref[0:N, :] + aggb_ref[NP1:NP1 + N, :])
    h = jnp.maximum(_dot3(x_ref[...], wr_ref[...]) + agg + b_ref[...], 0.0)
    h_ref[...] = h
    seg = lax.broadcasted_iota(jnp.int32, (G, N), 0)
    oh = (seg == batch_ref[...]).astype(jnp.float32)
    hh, hl = _split_hi(h)
    s = _dot(oh, hh) + _dot(oh, hl)
    cnt = jnp.sum(oh, axis=1, keepdims=True)
    x1_ref[...] = s / jnp.maximum(cnt, 1.0)


@jax.jit
def _node2(x, wr, agga, aggb, b, batch2d):
    return pl.pallas_call(
        _node2_body,
        out_shape=(jax.ShapeDtypeStruct((N, M2_OUT), jnp.float32),
                   jax.ShapeDtypeStruct((G, M2_OUT), jnp.float32)),
    )(x, wr, agga, aggb, b, batch2d)


def _convpre_body(hs0_ref, hs1_ref, hc0_ref, hc1_ref, iso_ref, wn_ref, ws_ref,
                  b_ref, t_ref, s_ref):
    ssum = hs0_ref[...] + hs1_ref[...]
    cnt = hc0_ref[...][:, 0:1] + hc1_ref[...][:, 0:1]
    mean = ssum / jnp.maximum(cnt, 1.0)
    hc = jnp.concatenate([mean, iso_ref[...]], axis=1)
    t_ref[...] = _dot3(hc, wn_ref[...])
    s_ref[...] = _dot3(hc, ws_ref[...]) + b_ref[...]


@jax.jit
def _convpre(hs0, hs1, hc0, hc1, iso, wn, ws, b):
    nblk = N2 // PB
    row = lambda j: (j, 0)
    const = lambda j: (0, 0)
    return pl.pallas_call(
        _convpre_body,
        grid=(nblk,),
        in_specs=[
            pl.BlockSpec((PB, D), row),
            pl.BlockSpec((PB, D), row),
            pl.BlockSpec((PB, 16), row),
            pl.BlockSpec((PB, 16), row),
            pl.BlockSpec((PB, NI2), row),
            pl.BlockSpec((D + NI2, D), const),
            pl.BlockSpec((D + NI2, D), const),
            pl.BlockSpec((1, D), const),
        ],
        out_specs=(pl.BlockSpec((PB, D), row), pl.BlockSpec((PB, D), row)),
        out_shape=(jax.ShapeDtypeStruct((N2, D), jnp.float32),
                   jax.ShapeDtypeStruct((N2, D), jnp.float32)),
    )(hs0, hs1, hc0, hc1, iso, wn, ws, b)


def _convmid_body(s_ref, a0_ref, a1_ref, wn_ref, ws_ref, b_ref, t_ref, so_ref):
    h = jnp.maximum(s_ref[...] + a0_ref[...] + a1_ref[...], 0.0)
    t_ref[...] = _dot3(h, wn_ref[...])
    so_ref[...] = _dot3(h, ws_ref[...]) + b_ref[...]


@jax.jit
def _convmid(s4, agg0, agg1, wn, ws, b):
    nblk = N2 // PB
    row = lambda j: (j, 0)
    const = lambda j: (0, 0)
    return pl.pallas_call(
        _convmid_body,
        grid=(nblk,),
        in_specs=[
            pl.BlockSpec((PB, D), row),
            pl.BlockSpec((PB, D), row),
            pl.BlockSpec((PB, D), row),
            pl.BlockSpec((D, D), const),
            pl.BlockSpec((D, D), const),
            pl.BlockSpec((1, D), const),
        ],
        out_specs=(pl.BlockSpec((PB, D), row), pl.BlockSpec((PB, D), row)),
        out_shape=(jax.ShapeDtypeStruct((N2, D), jnp.float32),
                   jax.ShapeDtypeStruct((N2, D), jnp.float32)),
    )(s4, agg0, agg1, wn, ws, b)


def _pool2b_body(s_ref, a0_ref, a1_ref, batch_ref, sum_ref, cnt_ref):
    j = pl.program_id(0)
    h = jnp.maximum(s_ref[...] + a0_ref[...] + a1_ref[...], 0.0)
    seg = lax.broadcasted_iota(jnp.int32, (G, PB), 0)
    oh = (seg == batch_ref[0]).astype(jnp.float32)
    hh, hl = _split_hi(h)
    ps = _dot(oh, hh) + _dot(oh, hl)
    pc = jnp.sum(oh, axis=1, keepdims=True)

    @pl.when(j == 0)
    def _():
        sum_ref[...] = ps
        cnt_ref[...] = pc

    @pl.when(j > 0)
    def _():
        sum_ref[...] += ps
        cnt_ref[...] += pc


@jax.jit
def _pool2b(s5, agg0, agg1, batch2d):
    nblk = N2 // PB
    return pl.pallas_call(
        _pool2b_body,
        grid=(nblk,),
        in_specs=[
            pl.BlockSpec((PB, D), lambda j: (j, 0)),
            pl.BlockSpec((PB, D), lambda j: (j, 0)),
            pl.BlockSpec((PB, D), lambda j: (j, 0)),
            pl.BlockSpec((1, 1, PB), lambda j: (j, 0, 0)),
        ],
        out_specs=(pl.BlockSpec((G, D), lambda j: (0, 0)),
                   pl.BlockSpec((G, 1), lambda j: (0, 0))),
        out_shape=(jax.ShapeDtypeStruct((G, D), jnp.float32),
                   jax.ShapeDtypeStruct((G, 1), jnp.float32)),
    )(s5, agg0, agg1, batch2d)


def _readout_body(x1_ref, xs_ref, xc_ref,
                  wo1_ref, bo1_ref, wo2_ref, bo2_ref, wo3_ref, bo3_ref, o_ref):
    x2 = xs_ref[...] / jnp.maximum(xc_ref[...], 1.0)
    m = jnp.concatenate([x1_ref[...], x2], axis=1)
    o = jnp.maximum(_dot3(m, wo1_ref[...]) + bo1_ref[...], 0.0)
    o = jnp.maximum(_dot3(o, wo2_ref[...]) + bo2_ref[...], 0.0)
    o_ref[...] = _dot3(o, wo3_ref[...]) + bo3_ref[...]


@jax.jit
def _readout(x1, x2s, x2c, wo1, bo1, wo2, bo2, wo3, bo3):
    return pl.pallas_call(
        _readout_body,
        out_shape=jax.ShapeDtypeStruct((G, 1), jnp.float32),
    )(x1, x2s, x2c, wo1, bo1, wo2, bo2, wo3, bo3)



def kernel(x, edge_index, edge_attr, batch, assignment_index_2, iso_type_2,
           edge_index_2, batch_2,
           We1a, be1a, We1b, be1b, Wr1, b1, We2a, be2a, We2b, be2b, Wr2, b2,
           W4s, W4n, b4, W5s, W5n, b5, Wo1, bo1, Wo2, bo2, Wo3, bo3):
    i32 = jnp.int32
    src = edge_index[0].astype(i32)
    dst = edge_index[1].astype(i32)
    EH = EP // 2
    NCH_H = NCH_E // 2
    src_pf = jnp.concatenate([src, jnp.zeros((EP - E,), i32)])
    dst_pf = jnp.concatenate([dst, jnp.full((EP - E,), N, i32)])
    src_h = [src_pf[:EH].reshape(NW, NCH_H, LCH), src_pf[EH:].reshape(NW, NCH_H, LCH)]
    dst_h = [dst_pf[:EH].reshape(NW, NCH_H, LCH), dst_pf[EH:].reshape(NW, NCH_H, LCH)]
    ea_p = jnp.concatenate([edge_attr, jnp.zeros((EP - E, BE), jnp.float32)])
    ea_h = [ea_p[:EH], ea_p[EH:]]
    nv_h = [EH // EB, (E - EH) // EB]

    src2 = edge_index_2[0].astype(i32)
    dst2 = edge_index_2[1].astype(i32)
    src2_p = jnp.concatenate([src2, jnp.zeros((EP - E2,), i32)]).reshape(NW, NCH_E, LCH)
    dst2_p = jnp.concatenate([dst2, jnp.full((EP - E2,), N2, i32)]).reshape(NW, NCH_E, LCH)

    a0 = assignment_index_2[0].astype(i32)
    a1 = assignment_index_2[1].astype(i32)
    a0_p = jnp.concatenate([a0, jnp.zeros((AP - A,), i32)]).reshape(NW, NCH_A, LCH)
    a1_p = jnp.concatenate([a1, jnp.full((AP - A,), N2, i32)]).reshape(NW, NCH_A, LCH)

    W1r = We1b.reshape(H, M1_IN, M1_OUT).transpose(0, 2, 1).reshape(H, M1_OUT * M1_IN)
    b1r = be1b.reshape(M1_IN, M1_OUT).T.reshape(1, M1_OUT * M1_IN)
    W2r = We2b.reshape(H, M2_IN, M2_OUT).transpose(0, 2, 1).reshape(H, M2_OUT * M2_IN)
    b2r = be2b.reshape(M2_IN, M2_OUT).T.reshape(1, M2_OUT * M2_IN)
    S1 = jnp.repeat(jnp.eye(M1_OUT, dtype=jnp.float32), M1_IN, axis=0)
    S2 = jnp.repeat(jnp.eye(M2_OUT, dtype=jnp.float32), M2_IN, axis=0)

    be1a2 = be1a.reshape(1, H)
    be2a2 = be2a.reshape(1, H)
    b1_2 = b1.reshape(1, M1_OUT)
    b2_2 = b2.reshape(1, M2_OUT)
    b4_2 = b4.reshape(1, D)
    b5_2 = b5.reshape(1, D)
    bo1_2 = bo1.reshape(1, D)
    bo2_2 = bo2.reshape(1, D // 2)
    bo3_2 = bo3.reshape(1, 1)
    batch2d = batch.astype(i32).reshape(1, N)
    batch2_2d = batch_2.astype(i32).reshape(1, N2)

    z1 = jnp.zeros((NP1 // NS, M1_OUT), jnp.float32)
    z2 = jnp.zeros((NP1 // NS, M2_OUT), jnp.float32)
    z64 = jnp.zeros((NP2 // NS, D), jnp.float32)
    z16 = jnp.zeros((NP2 // NS, 16), jnp.float32)
    ones16 = jnp.ones((LCH, 16), jnp.float32)

    xs_h = [_sc_gather(x, src_h[k], nch=NCH_H, width=F) for k in range(2)]
    msg1_h = [_edge1(ea_h[k], xs_h[k], We1a, be1a2, W1r, b1r, S1,
                     nvalid=nv_h[k], nrows=EH) for k in range(2)]
    agg1_h = [_sc_scatter_add(msg1_h[k], dst_h[k], z1, nch=NCH_H,
                              width=M1_OUT, npad=NP1) for k in range(2)]
    out1 = _node1(x, Wr1, agg1_h[0], agg1_h[1], b1_2)

    xs2_h = [_sc_gather(out1, src_h[k], nch=NCH_H, width=M1_OUT) for k in range(2)]
    msg2_h = [_edge2(ea_h[k], xs2_h[k], We2a, be2a2, W2r, b2r, S2,
                     nvalid=nv_h[k], nrows=EH) for k in range(2)]
    agg2_h = [_sc_scatter_add(msg2_h[k], dst_h[k], z2, nch=NCH_H,
                              width=M2_OUT, npad=NP1) for k in range(2)]
    h, x_1 = _node2(out1, Wr2, agg2_h[0], agg2_h[1], b2_2, batch2d)

    hsum, hcnt = _sc_pool2(h, a0_p, a1_p, ones16, z64, z16)

    t4, s4 = _convpre(hsum[0:N2], hsum[NP2:NP2 + N2], hcnt[0:N2],
                      hcnt[NP2:NP2 + N2], iso_type_2, W4n, W4s, b4_2)
    agg4 = _sc_gather_scatter(t4, src2_p, dst2_p, z64, nch=NCH_E, width=D, npad=NP2)
    t5, s5 = _convmid(s4, agg4[0:N2], agg4[NP2:NP2 + N2], W5n, W5s, b5_2)
    agg5 = _sc_gather_scatter(t5, src2_p, dst2_p, z64, nch=NCH_E, width=D, npad=NP2)

    batch2_3d = batch_2.astype(i32).reshape(N2 // PB, 1, PB)
    x2s, x2c = _pool2b(s5, agg5[0:N2], agg5[NP2:NP2 + N2], batch2_3d)
    o = _readout(x_1, x2s, x2c, Wo1, bo1_2, Wo2, bo2_2, Wo3, bo3_2)
    return o.reshape(-1)

# --- scband reference (transcript-rebuilt; emitter-appended) ---
"""Pipeline reference for scband-knn-21002390078196 (READ-ONLY COPY).

The authoritative reference and input builder live on the scoring server;
editing this copy changes nothing except your own understanding.
"""

import jax, jax.numpy as jnp
import numpy as np

N = 10000; E = 160000; F = 128; BE = 16; D = 64; H = 128
N2 = 20000; A = 40000; E2 = 160000; G = 256; NI2 = 64
M1_IN, M1_OUT = F, D // 2
M2_IN, M2_OUT = D // 2, D
CH = 1000


def _w(k, shape, fan):
    return jax.random.normal(k, shape, dtype=jnp.float32) / np.sqrt(fan)


def setup_inputs(seed: int = 0) -> dict:
    key = jax.random.key(seed)
    ks = jax.random.split(key, 40)
    inp = {}
    inp['x'] = jax.random.normal(ks[0], (N, F), dtype=jnp.float32)
    inp['edge_index'] = jax.random.randint(ks[1], (2, E), 0, N)
    inp['edge_attr'] = jax.random.uniform(ks[2], (E, BE), dtype=jnp.float32)
    inp['batch'] = jnp.sort(jax.random.randint(ks[3], (N,), 0, G))
    a0 = jax.random.randint(ks[4], (A,), 0, N)
    a1 = jax.random.randint(ks[5], (A,), 0, N2)
    inp['assignment_index_2'] = jnp.stack([a0, a1])
    inp['iso_type_2'] = jax.random.uniform(ks[6], (N2, NI2), dtype=jnp.float32)
    inp['edge_index_2'] = jax.random.randint(ks[7], (2, E2), 0, N2)
    inp['batch_2'] = jnp.sort(jax.random.randint(ks[8], (N2,), 0, G))
    # NNConv layer 1: edge MLP Linear(16,128)->relu->Linear(128, M1_IN*M1_OUT), root weight, bias
    inp['We1a'] = _w(ks[9], (BE, H), BE); inp['be1a'] = jnp.zeros((H,), jnp.float32)
    inp['We1b'] = _w(ks[10], (H, M1_IN * M1_OUT), H); inp['be1b'] = jnp.zeros((M1_IN * M1_OUT,), jnp.float32)
    inp['Wr1'] = _w(ks[11], (M1_IN, M1_OUT), M1_IN); inp['b1'] = jnp.zeros((M1_OUT,), jnp.float32)
    # NNConv layer 2
    inp['We2a'] = _w(ks[12], (BE, H), BE); inp['be2a'] = jnp.zeros((H,), jnp.float32)
    inp['We2b'] = _w(ks[13], (H, M2_IN * M2_OUT), H); inp['be2b'] = jnp.zeros((M2_IN * M2_OUT,), jnp.float32)
    inp['Wr2'] = _w(ks[14], (M2_IN, M2_OUT), M2_IN); inp['b2'] = jnp.zeros((M2_OUT,), jnp.float32)
    # GraphConv conv4 (in = D + NI2) and conv5 (D -> D)
    inp['W4s'] = _w(ks[15], (D + NI2, D), D + NI2); inp['W4n'] = _w(ks[16], (D + NI2, D), D + NI2); inp['b4'] = jnp.zeros((D,), jnp.float32)
    inp['W5s'] = _w(ks[17], (D, D), D); inp['W5n'] = _w(ks[18], (D, D), D); inp['b5'] = jnp.zeros((D,), jnp.float32)
    # readout MLP: 2D -> D -> D/2 -> 1
    inp['Wo1'] = _w(ks[19], (2 * D, D), 2 * D); inp['bo1'] = jnp.zeros((D,), jnp.float32)
    inp['Wo2'] = _w(ks[20], (D, D // 2), D); inp['bo2'] = jnp.zeros((D // 2,), jnp.float32)
    inp['Wo3'] = _w(ks[21], (D // 2, 1), D // 2); inp['bo3'] = jnp.zeros((1,), jnp.float32)
    return inp


def _mean_pool(h, seg, num):
    s = jax.ops.segment_sum(h, seg, num_segments=num)
    c = jax.ops.segment_sum(jnp.ones((h.shape[0], 1), h.dtype), seg, num_segments=num)
    return s / jnp.maximum(c, 1.0)


def _nnconv(x, edge_index, edge_attr, Wea, bea, Web, beb, Wr, b, m_in, m_out, n_nodes):
    # edge MLP: Linear -> relu -> (dropout p=0) -> Linear, producing per-edge [m_in, m_out] weight
    h = jax.nn.relu(edge_attr @ Wea + bea)
    src, dst = edge_index[0], edge_index[1]
    x_src = x[src]
    Wb3 = Web.reshape(H, m_in, m_out)

    def f(args):
        xs, hs = args
        w = jnp.einsum('ek,kio->eio', hs, Wb3)
        return jnp.einsum('ei,eio->eo', xs, w)

    f = jax.checkpoint(f)
    nch = x_src.shape[0] // CH
    msg = jax.lax.map(f, (x_src.reshape(nch, CH, m_in), h.reshape(nch, CH, H)))
    msg = msg.reshape(-1, m_out) + x_src @ beb.reshape(m_in, m_out)
    agg = jax.ops.segment_sum(msg, dst, num_segments=n_nodes)
    return x @ Wr + agg + b


def _graphconv(x, edge_index, Ws, Wn, b, n_nodes):
    src, dst = edge_index[0], edge_index[1]
    agg = jax.ops.segment_sum(x[src] @ Wn, dst, num_segments=n_nodes)
    return x @ Ws + agg + b


def reference(x, edge_index, edge_attr, batch, assignment_index_2, iso_type_2, edge_index_2, batch_2,
              We1a, be1a, We1b, be1b, Wr1, b1, We2a, be2a, We2b, be2b, Wr2, b2,
              W4s, W4n, b4, W5s, W5n, b5, Wo1, bo1, Wo2, bo2, Wo3, bo3):
    h = jax.nn.relu(_nnconv(x, edge_index, edge_attr, We1a, be1a, We1b, be1b, Wr1, b1, M1_IN, M1_OUT, N))
    h = jax.nn.relu(_nnconv(h, edge_index, edge_attr, We2a, be2a, We2b, be2b, Wr2, b2, M2_IN, M2_OUT, N))
    x_1 = _mean_pool(h, batch, G)
    # avg_pool onto 2-clique nodes via assignment_index_2
    hc = _mean_pool(h[assignment_index_2[0]], assignment_index_2[1], N2)
    hc = jnp.concatenate([hc, iso_type_2], axis=1)
    hc = jax.nn.relu(_graphconv(hc, edge_index_2, W4s, W4n, b4, N2))
    hc = jax.nn.relu(_graphconv(hc, edge_index_2, W5s, W5n, b5, N2))
    x_2 = _mean_pool(hc, batch_2, G)
    m = jnp.concatenate([x_1, x_2], axis=1)
    o = jax.nn.relu(m @ Wo1 + bo1)
    o = jax.nn.relu(o @ Wo2 + bo2)
    o = o @ Wo3 + bo3
    return o.reshape(-1)

if __name__ == "__main__":
    import jax
    _d = setup_inputs()
    print(jax.jit(kernel)(*tuple(_d.values())))

</pallas_src>

<mosaic_0001>
#map = affine_map<(d0, d1) -> (0, 0)>
#map1 = affine_map<(d0, d1) -> (0, 0, 0)>
module attributes {stable_mosaic.version = 14 : i64} {
  func.func @body(%arg0: i32, %arg1: i32, %arg2: memref<10000x128xf32, #tpu.memory_space<hbm>>, %arg3: memref<32x20x128xi32, #tpu.memory_space<hbm>>, %arg4: memref<81920x128xf32, #tpu.memory_space<hbm>>, %arg5: memref<20x128xi32, #tpu.memory_space<vmem>>, %arg6: memref<128x128xf32, #tpu.memory_space<vmem>>, %arg7: memref<128x128xf32, #tpu.memory_space<vmem>>, %arg8: memref<128x128xf32, #tpu.memory_space<vmem>>, %arg9: memref<128x128xf32, #tpu.memory_space<vmem>>, %arg10: memref<!tpu.dma_semaphore, #tpu.memory_space<semaphore_mem>>, %arg11: memref<!tpu.dma_semaphore, #tpu.memory_space<semaphore_mem>>, %arg12: memref<!tpu.dma_semaphore, #tpu.memory_space<semaphore_mem>>, %arg13: memref<!tpu.dma_semaphore, #tpu.memory_space<semaphore_mem>>) attributes {dimension_semantics = [#tpu.dimension_semantics<core_parallel>, #tpu.dimension_semantics<subcore_parallel>], iteration_bounds = array<i64: 2, 16>, scalar_prefetch = 0 : i64, scratch_operands = 9 : i64, tpu.core_type = #tpu.core_type<sc_vector_subcore>, window_params = [{transform_indices = #map}, {transform_indices = #map1}, {transform_indices = #map}]} {
    %mul3A = arith.constant 2 : i32
    %mul3A_0 = arith.muli %arg1, %mul3A : i32
    %add3A = arith.addi %mul3A_0, %arg0 : i32
    %mul3A_1 = arith.constant 20 : i32
    %mul3A_2 = arith.muli %add3A, %mul3A_1 : i32
    %mul3A_3 = arith.constant 128 : i32
    %mul3A_4 = arith.muli %mul3A_2, %mul3A_3 : i32
    "tpu.region"() ({
      %run_scoped3A = tpu.sem_alloc : memref<!tpu.dma_semaphore, #tpu.memory_space<semaphore_mem>>
      %dma_start3A_37 = arith.constant 0 : i32
      %dma_start3A_38 = arith.constant 0 : i32
      %dma_start3A_39 = tpu.memref_slice %arg3[%add3A, %dma_start3A_37, %dma_start3A_38] : memref<32x20x128xi32, #tpu.memory_space<hbm>> -> memref<1x20x128xi32, #tpu.memory_space<hbm>>
      %dma_start3A_40 = tpu.memref_squeeze %dma_start3A_39 : memref<1x20x128xi32, #tpu.memory_space<hbm>> -> memref<20x128xi32, #tpu.memory_space<hbm>>
      %dma_start3A_41 = arith.constant 0 : i32
      %dma_start3A_42 = arith.constant 0 : i32
      %dma_start3A_43 = tpu.memref_slice %arg3[%add3A, %dma_start3A_41, %dma_start3A_42] : memref<32x20x128xi32, #tpu.memory_space<hbm>> -> memref<1x20x128xi32, #tpu.memory_space<hbm>>
      %dma_start3A_44 = tpu.memref_squeeze %dma_start3A_43 : memref<1x20x128xi32, #tpu.memory_space<hbm>> -> memref<20x128xi32, #tpu.memory_space<hbm>>
      tpu.enqueue_dma source(%dma_start3A_44 : memref<20x128xi32, #tpu.memory_space<hbm>>) target(%arg5 : memref<20x128xi32, #tpu.memory_space<vmem>>) target_semaphore(%run_scoped3A : memref<!tpu.dma_semaphore, #tpu.memory_space<semaphore_mem>>)
      %dma_wait3A = arith.constant 0 : i32
      %dma_wait3A_45 = arith.constant 0 : i32
      %dma_wait3A_46 = tpu.memref_slice %arg3[%add3A, %dma_wait3A, %dma_wait3A_45] : memref<32x20x128xi32, #tpu.memory_space<hbm>> -> memref<1x20x128xi32, #tpu.memory_space<hbm>>
      %dma_wait3A_47 = tpu.memref_squeeze %dma_wait3A_46 : memref<1x20x128xi32, #tpu.memory_space<hbm>> -> memref<20x128xi32, #tpu.memory_space<hbm>>
      %dma_wait3A_48 = arith.constant 0 : i32
      %dma_wait3A_49 = arith.constant 0 : i32
      %dma_wait3A_50 = tpu.memref_slice %arg3[%add3A, %dma_wait3A_48, %dma_wait3A_49] : memref<32x20x128xi32, #tpu.memory_space<hbm>> -> memref<1x20x128xi32, #tpu.memory_space<hbm>>
      %dma_wait3A_51 = tpu.memref_squeeze %dma_wait3A_50 : memref<1x20x128xi32, #tpu.memory_space<hbm>> -> memref<20x128xi32, #tpu.memory_space<hbm>>
      tpu.wait_dma2 semaphore(%run_scoped3A : memref<!tpu.dma_semaphore, #tpu.memory_space<semaphore_mem>>) src(%dma_wait3A_51 : memref<20x128xi32, #tpu.memory_space<hbm>>) dst(%arg5 : memref<20x128xi32, #tpu.memory_space<vmem>>)
      tpu.yield
    }) : () -> ()
    %dma_start3A = arith.constant 0 : i32
    %dma_start3A_5 = arith.constant 0 : i32
    %dma_start3A_6 = tpu.memref_slice %arg5[%dma_start3A, %dma_start3A_5] : memref<20x128xi32, #tpu.memory_space<vmem>> -> memref<1x128xi32, #tpu.memory_space<vmem>>
    %dma_start3A_7 = tpu.memref_squeeze %dma_start3A_6 : memref<1x128xi32, #tpu.memory_space<vmem>> -> memref<128xi32, #tpu.memory_space<vmem>>
    %dma_start3A_8 = arith.constant 0 : i32
    %dma_start3A_9 = arith.constant 0 : i32
    %dma_start3A_10 = tpu.memref_slice %arg2[%dma_start3A_8, %dma_start3A_9] : memref<10000x128xf32, #tpu.memory_space<hbm>> -> memref<10000x128xf32, #tpu.memory_space<hbm>>
    tpu.enqueue_indirect_dma source(%dma_start3A_10 : memref<10000x128xf32, #tpu.memory_space<hbm>>) target(%arg6 : memref<128x128xf32, #tpu.memory_space<vmem>>) offsets(%dma_start3A_7 : memref<128xi32, #tpu.memory_space<vmem>>) semaphore(%arg10 : memref<!tpu.dma_semaphore, #tpu.memory_space<semaphore_mem>>)
    %dma_start3A_11 = arith.constant 1 : i32
    %dma_start3A_12 = arith.constant 0 : i32
    %dma_start3A_13 = tpu.memref_slice %arg5[%dma_start3A_11, %dma_start3A_12] : memref<20x128xi32, #tpu.memory_space<vmem>> -> memref<1x128xi32, #tpu.memory_space<vmem>>
    %dma_start3A_14 = tpu.memref_squeeze %dma_start3A_13 : memref<1x128xi32, #tpu.memory_space<vmem>> -> memref<128xi32, #tpu.memory_space<vmem>>
    %dma_start3A_15 = arith.constant 0 : i32
    %dma_start3A_16 = arith.constant 0 : i32
    %dma_start3A_17 = tpu.memref_slice %arg2[%dma_start3A_15, %dma_start3A_16] : memref<10000x128xf32, #tpu.memory_space<hbm>> -> memref<10000x128xf32, #tpu.memory_space<hbm>>
    tpu.enqueue_indirect_dma source(%dma_start3A_17 : memref<10000x128xf32, #tpu.memory_space<hbm>>) target(%arg7 : memref<128x128xf32, #tpu.memory_space<vmem>>) offsets(%dma_start3A_14 : memref<128xi32, #tpu.memory_space<vmem>>) semaphore(%arg11 : memref<!tpu.dma_semaphore, #tpu.memory_space<semaphore_mem>>)
    %dma_start3A_18 = arith.constant 2 : i32
    %dma_start3A_19 = arith.constant 0 : i32
    %dma_start3A_20 = tpu.memref_slice %arg5[%dma_start3A_18, %dma_start3A_19] : memref<20x128xi32, #tpu.memory_space<vmem>> -> memref<1x128xi32, #tpu.memory_space<vmem>>
    %dma_start3A_21 = tpu.memref_squeeze %dma_start3A_20 : memref<1x128xi32, #tpu.memory_space<vmem>> -> memref<128xi32, #tpu.memory_space<vmem>>
    %dma_start3A_22 = arith.constant 0 : i32
    %dma_start3A_23 = arith.constant 0 : i32
    %dma_start3A_24 = tpu.memref_slice %arg2[%dma_start3A_22, %dma_start3A_23] : memref<10000x128xf32, #tpu.memory_space<hbm>> -> memref<10000x128xf32, #tpu.memory_space<hbm>>
    tpu.enqueue_indirect_dma source(%dma_start3A_24 : memref<10000x128xf32, #tpu.memory_space<hbm>>) target(%arg8 : memref<128x128xf32, #tpu.memory_space<vmem>>) offsets(%dma_start3A_21 : memref<128xi32, #tpu.memory_space<vmem>>) semaphore(%arg12 : memref<!tpu.dma_semaphore, #tpu.memory_space<semaphore_mem>>)
    %dma_start3A_25 = arith.constant 3 : i32
    %dma_start3A_26 = arith.constant 0 : i32
    %dma_start3A_27 = tpu.memref_slice %arg5[%dma_start3A_25, %dma_start3A_26] : memref<20x128xi32, #tpu.memory_space<vmem>> -> memref<1x128xi32, #tpu.memory_space<vmem>>
    %dma_start3A_28 = tpu.memref_squeeze %dma_start3A_27 : memref<1x128xi32, #tpu.memory_space<vmem>> -> memref<128xi32, #tpu.memory_space<vmem>>
    %dma_start3A_29 = arith.constant 0 : i32
    %dma_start3A_30 = arith.constant 0 : i32
    %dma_start3A_31 = tpu.memref_slice %arg2[%dma_start3A_29, %dma_start3A_30] : memref<10000x128xf32, #tpu.memory_space<hbm>> -> memref<10000x128xf32, #tpu.memory_space<hbm>>
    tpu.enqueue_indirect_dma source(%dma_start3A_31 : memref<10000x128xf32, #tpu.memory_space<hbm>>) target(%arg9 : memref<128x128xf32, #tpu.memory_space<vmem>>) offsets(%dma_start3A_28 : memref<128xi32, #tpu.memory_space<vmem>>) semaphore(%arg13 : memref<!tpu.dma_semaphore, #tpu.memory_space<semaphore_mem>>)
    %scan3A = arith.constant 0 : i32
    %scan3A_32 = arith.constant 0 : i32
    %scan3A_33 = arith.constant 5 : i32
    %scan3A_34 = arith.addi %scan3A_32, %scan3A_33 : i32
    %scan3A_35 = arith.constant 1 : i32
    scf.for %scan3A_37 = %scan3A_32 to %scan3A_34 step %scan3A_35  : i32 {
      %mul3A_38 = arith.constant 4 : i32
      %mul3A_39 = arith.muli %mul3A_38, %scan3A_37 : i32
      %add3A_40 = arith.constant 0 : i32
      %add3A_41 = arith.addi %mul3A_39, %add3A_40 : i32
      %dma_wait3A = arith.constant 0 : i32
      %dma_wait3A_42 = tpu.memref_slice %arg5[%add3A_41, %dma_wait3A] : memref<20x128xi32, #tpu.memory_space<vmem>> -> memref<1x128xi32, #tpu.memory_space<vmem>>
      %dma_wait3A_43 = tpu.memref_squeeze %dma_wait3A_42 : memref<1x128xi32, #tpu.memory_space<vmem>> -> memref<128xi32, #tpu.memory_space<vmem>>
      %dma_wait3A_44 = arith.constant 0 : i32
      %dma_wait3A_45 = arith.constant 0 : i32
      %dma_wait3A_46 = tpu.memref_slice %arg2[%dma_wait3A_44, %dma_wait3A_45] : memref<10000x128xf32, #tpu.memory_space<hbm>> -> memref<10000x128xf32, #tpu.memory_space<hbm>>
      tpu.wait_indirect_dma semaphore(%arg10 : memref<!tpu.dma_semaphore, #tpu.memory_space<semaphore_mem>>) src(%dma_wait3A_46 : memref<10000x128xf32, #tpu.memory_space<hbm>>) dst(%arg6 : memref<128x128xf32, #tpu.memory_space<vmem>>)
      %add3A_47 = arith.constant 0 : i32
      %add3A_48 = arith.addi %mul3A_39, %add3A_47 : i32
      %mul3A_49 = arith.constant 128 : i32
      %mul3A_50 = arith.muli %add3A_48, %mul3A_49 : i32
      %add3A_51 = arith.addi %mul3A_4, %mul3A_50 : i32
      "tpu.region"() ({
        %run_scoped3A = tpu.sem_alloc : memref<!tpu.dma_semaphore, #tpu.memory_space<semaphore_mem>>
        %dma_start3A_124 = arith.constant 0 : i32
        %dma_start3A_125 = tpu.memref_slice %arg4[%add3A_51, %dma_start3A_124] : memref<81920x128xf32, #tpu.memory_space<hbm>> -> memref<128x128xf32, #tpu.memory_space<hbm>>
        %dma_start3A_126 = arith.constant 0 : i32
        %dma_start3A_127 = tpu.memref_slice %arg4[%add3A_51, %dma_start3A_126] : memref<81920x128xf32, #tpu.memory_space<hbm>> -> memref<128x128xf32, #tpu.memory_space<hbm>>
        tpu.enqueue_dma source(%arg6 : memref<128x128xf32, #tpu.memory_space<vmem>>) target(%dma_start3A_127 : memref<128x128xf32, #tpu.memory_space<hbm>>) target_semaphore(%run_scoped3A : memref<!tpu.dma_semaphore, #tpu.memory_space<semaphore_mem>>)
        %dma_wait3A_128 = arith.constant 0 : i32
        %dma_wait3A_129 = tpu.memref_slice %arg4[%add3A_51, %dma_wait3A_128] : memref<81920x128xf32, #tpu.memory_space<hbm>> -> memref<128x128xf32, #tpu.memory_space<hbm>>
        %dma_wait3A_130 = arith.constant 0 : i32
        %dma_wait3A_131 = tpu.memref_slice %arg4[%add3A_51, %dma_wait3A_130] : memref<81920x128xf32, #tpu.memory_space<hbm>> -> memref<128x128xf32, #tpu.memory_space<hbm>>
        tpu.wait_dma2 semaphore(%run_scoped3A : memref<!tpu.dma_semaphore, #tpu.memory_space<semaphore_mem>>) src(%arg6 : memref<128x128xf32, #tpu.memory_space<vmem>>) dst(%dma_wait3A_131 : memref<128x128xf32, #tpu.memory_space<hbm>>)
        tpu.yield
      }) : () -> ()
      %add3A_52 = arith.constant 0 : i32
      %add3A_53 = arith.addi %mul3A_39, %add3A_52 : i32
      %add3A_54 = arith.constant 4 : i32
      %add3A_55 = arith.addi %add3A_53, %add3A_54 : i32
      %lt3A = arith.constant 20 : i32
      %lt3A_56 = arith.cmpi slt, %add3A_55, %lt3A : i32
      %convert_element_type3A = arith.extui %lt3A_56 : i1 to i32
      %cond3A = arith.constant 0 : i32
      %cond3A_57 = arith.cmpi ne, %convert_element_type3A, %cond3A : i32
      scf.if %cond3A_57 {
        %add3A_124 = arith.constant 0 : i32
        %add3A_125 = arith.addi %mul3A_39, %add3A_124 : i32
        %add3A_126 = arith.constant 4 : i32
        %add3A_127 = arith.addi %add3A_125, %add3A_126 : i32
        %dma_start3A_128 = arith.constant 0 : i32
        %dma_start3A_129 = tpu.memref_slice %arg5[%add3A_127, %dma_start3A_128] : memref<20x128xi32, #tpu.memory_space<vmem>> -> memref<1x128xi32, #tpu.memory_space<vmem>>
        %dma_start3A_130 = tpu.memref_squeeze %dma_start3A_129 : memref<1x128xi32, #tpu.memory_space<vmem>> -> memref<128xi32, #tpu.memory_space<vmem>>
        %dma_start3A_131 = arith.constant 0 : i32
        %dma_start3A_132 = arith.constant 0 : i32
        %dma_start3A_133 = tpu.memref_slice %arg2[%dma_start3A_131, %dma_start3A_132] : memref<10000x128xf32, #tpu.memory_space<hbm>> -> memref<10000x128xf32, #tpu.memory_space<hbm>>
        tpu.enqueue_indirect_dma source(%dma_start3A_133 : memref<10000x128xf32, #tpu.memory_space<hbm>>) target(%arg6 : memref<128x128xf32, #tpu.memory_space<vmem>>) offsets(%dma_start3A_130 : memref<128xi32, #tpu.memory_space<vmem>>) semaphore(%arg10 : memref<!tpu.dma_semaphore, #tpu.memory_space<semaphore_mem>>)
      } else {
      }
      %add3A_58 = arith.constant 1 : i32
      %add3A_59 = arith.addi %mul3A_39, %add3A_58 : i32
      %dma_wait3A_60 = arith.constant 0 : i32
      %dma_wait3A_61 = tpu.memref_slice %arg5[%add3A_59, %dma_wait3A_60] : memref<20x128xi32, #tpu.memory_space<vmem>> -> memref<1x128xi32, #tpu.memory_space<vmem>>
      %dma_wait3A_62 = tpu.memref_squeeze %dma_wait3A_61 : memref<1x128xi32, #tpu.memory_space<vmem>> -> memref<128xi32, #tpu.memory_space<vmem>>
      %dma_wait3A_63 = arith.constant 0 : i32
      %dma_wait3A_64 = arith.constant 0 : i32
      %dma_wait3A_65 = tpu.memref_slice %arg2[%dma_wait3A_63, %dma_wait3A_64] : memref<10000x128xf32, #tpu.memory_space<hbm>> -> memref<10000x128xf32, #tpu.memory_space<hbm>>
      tpu.wait_indirect_dma semaphore(%arg11 : memref<!tpu.dma_semaphore, #tpu.memory_space<semaphore_mem>>) src(%dma_wait3A_65 : memref<10000x128xf32, #tpu.memory_space<hbm>>) dst(%arg7 : memref<128x128xf32, #tpu.memory_space<vmem>>)
      %add3A_66 = arith.constant 1 : i32
      %add3A_67 = arith.addi %mul3A_39, %add3A_66 : i32
      %mul3A_68 = arith.constant 128 : i32
      %mul3A_69 = arith.muli %add3A_67, %mul3A_68 : i32
      %add3A_70 = arith.addi %mul3A_4, %mul3A_69 : i32
      "tpu.region"() ({
        %run_scoped3A = tpu.sem_alloc : memref<!tpu.dma_semaphore, #tpu.memory_space<semaphore_mem>>
        %dma_start3A_124 = arith.constant 0 : i32
        %dma_start3A_125 = tpu.memref_slice %arg4[%add3A_70, %dma_start3A_124] : memref<81920x128xf32, #tpu.memory_space<hbm>> -> memref<128x128xf32, #tpu.memory_space<hbm>>
        %dma_start3A_126 = arith.constant 0 : i32
        %dma_start3A_127 = tpu.memref_slice %arg4[%add3A_70, %dma_start3A_126] : memref<81920x128xf32, #tpu.memory_space<hbm>> -> memref<128x128xf32, #tpu.memory_space<hbm>>
        tpu.enqueue_dma source(%arg7 : memref<128x128xf32, #tpu.memory_space<vmem>>) target(%dma_start3A_127 : memref<128x128xf32, #tpu.memory_space<hbm>>) target_semaphore(%run_scoped3A : memref<!tpu.dma_semaphore, #tpu.memory_space<semaphore_mem>>)
        %dma_wait3A_128 = arith.constant 0 : i32
        %dma_wait3A_129 = tpu.memref_slice %arg4[%add3A_70, %dma_wait3A_128] : memref<81920x128xf32, #tpu.memory_space<hbm>> -> memref<128x128xf32, #tpu.memory_space<hbm>>
        %dma_wait3A_130 = arith.constant 0 : i32
        %dma_wait3A_131 = tpu.memref_slice %arg4[%add3A_70, %dma_wait3A_130] : memref<81920x128xf32, #tpu.memory_space<hbm>> -> memref<128x128xf32, #tpu.memory_space<hbm>>
        tpu.wait_dma2 semaphore(%run_scoped3A : memref<!tpu.dma_semaphore, #tpu.memory_space<semaphore_mem>>) src(%arg7 : memref<128x128xf32, #tpu.memory_space<vmem>>) dst(%dma_wait3A_131 : memref<128x128xf32, #tpu.memory_space<hbm>>)
        tpu.yield
      }) : () -> ()
      %add3A_71 = arith.constant 1 : i32
      %add3A_72 = arith.addi %mul3A_39, %add3A_71 : i32
      %add3A_73 = arith.constant 4 : i32
      %add3A_74 = arith.addi %add3A_72, %add3A_73 : i32
      %lt3A_75 = arith.constant 20 : i32
      %lt3A_76 = arith.cmpi slt, %add3A_74, %lt3A_75 : i32
      %convert_element_type3A_77 = arith.extui %lt3A_76 : i1 to i32
      %cond3A_78 = arith.constant 0 : i32
      %cond3A_79 = arith.cmpi ne, %convert_element_type3A_77, %cond3A_78 : i32
      scf.if %cond3A_79 {
        %add3A_124 = arith.constant 1 : i32
        %add3A_125 = arith.addi %mul3A_39, %add3A_124 : i32
        %add3A_126 = arith.constant 4 : i32
        %add3A_127 = arith.addi %add3A_125, %add3A_126 : i32
        %dma_start3A_128 = arith.constant 0 : i32
        %dma_start3A_129 = tpu.memref_slice %arg5[%add3A_127, %dma_start3A_128] : memref<20x128xi32, #tpu.memory_space<vmem>> -> memref<1x128xi32, #tpu.memory_space<vmem>>
        %dma_start3A_130 = tpu.memref_squeeze %dma_start3A_129 : memref<1x128xi32, #tpu.memory_space<vmem>> -> memref<128xi32, #tpu.memory_space<vmem>>
        %dma_start3A_131 = arith.constant 0 : i32
        %dma_start3A_132 = arith.constant 0 : i32
        %dma_start3A_133 = tpu.memref_slice %arg2[%dma_start3A_131, %dma_start3A_132] : memref<10000x128xf32, #tpu.memory_space<hbm>> -> memref<10000x128xf32, #tpu.memory_space<hbm>>
        tpu.enqueue_indirect_dma source(%dma_start3A_133 : memref<10000x128xf32, #tpu.memory_space<hbm>>) target(%arg7 : memref<128x128xf32, #tpu.memory_space<vmem>>) offsets(%dma_start3A_130 : memref<128xi32, #tpu.memory_space<vmem>>) semaphore(%arg11 : memref<!tpu.dma_semaphore, #tpu.memory_space<semaphore_mem>>)
      } else {
      }
      %add3A_80 = arith.constant 2 : i32
      %add3A_81 = arith.addi %mul3A_39, %add3A_80 : i32
      %dma_wait3A_82 = arith.constant 0 : i32
      %dma_wait3A_83 = tpu.memref_slice %arg5[%add3A_81, %dma_wait3A_82] : memref<20x128xi32, #tpu.memory_space<vmem>> -> memref<1x128xi32, #tpu.memory_space<vmem>>
      %dma_wait3A_84 = tpu.memref_squeeze %dma_wait3A_83 : memref<1x128xi32, #tpu.memory_space<vmem>> -> memref<128xi32, #tpu.memory_space<vmem>>
      %dma_wait3A_85 = arith.constant 0 : i32
      %dma_wait3A_86 = arith.constant 0 : i32
      %dma_wait3A_87 = tpu.memref_slice %arg2[%dma_wait3A_85, %dma_wait3A_86] : memref<10000x128xf32, #tpu.memory_space<hbm>> -> memref<10000x128xf32, #tpu.memory_space<hbm>>
      tpu.wait_indirect_dma semaphore(%arg12 : memref<!tpu.dma_semaphore, #tpu.memory_space<semaphore_mem>>) src(%dma_wait3A_87 : memref<10000x128xf32, #tpu.memory_space<hbm>>) dst(%arg8 : memref<128x128xf32, #tpu.memory_space<vmem>>)
      %add3A_88 = arith.constant 2 : i32
      %add3A_89 = arith.addi %mul3A_39, %add3A_88 : i32
      %mul3A_90 = arith.constant 128 : i32
      %mul3A_91 = arith.muli %add3A_89, %mul3A_90 : i32
      %add3A_92 = arith.addi %mul3A_4, %mul3A_91 : i32
      "tpu.region"() ({
        %run_scoped3A = tpu.sem_alloc : memref<!tpu.dma_semaphore, #tpu.memory_space<semaphore_mem>>
        %dma_start3A_124 = arith.constant 0 : i32
        %dma_start3A_125 = tpu.memref_slice %arg4[%add3A_92, %dma_start3A_124] : memref<81920x128xf32, #tpu.memory_space<hbm>> -> memref<128x128xf32, #tpu.memory_space<hbm>>
        %dma_start3A_126 = arith.constant 0 : i32
        %dma_start3A_127 = tpu.memref_slice %arg4[%add3A_92, %dma_start3A_126] : memref<81920x128xf32, #tpu.memory_space<hbm>> -> memref<128x128xf32, #tpu.memory_space<hbm>>
        tpu.enqueue_dma source(%arg8 : memref<128x128xf32, #tpu.memory_space<vmem>>) target(%dma_start3A_127 : memref<128x128xf32, #tpu.memory_space<hbm>>) target_semaphore(%run_scoped3A : memref<!tpu.dma_semaphore, #tpu.memory_space<semaphore_mem>>)
        %dma_wait3A_128 = arith.constant 0 : i32
        %dma_wait3A_129 = tpu.memref_slice %arg4[%add3A_92, %dma_wait3A_128] : memref<81920x128xf32, #tpu.memory_space<hbm>> -> memref<128x128xf32, #tpu.memory_space<hbm>>
        %dma_wait3A_130 = arith.constant 0 : i32
        %dma_wait3A_131 = tpu.memref_slice %arg4[%add3A_92, %dma_wait3A_130] : memref<81920x128xf32, #tpu.memory_space<hbm>> -> memref<128x128xf32, #tpu.memory_space<hbm>>
        tpu.wait_dma2 semaphore(%run_scoped3A : memref<!tpu.dma_semaphore, #tpu.memory_space<semaphore_mem>>) src(%arg8 : memref<128x128xf32, #tpu.memory_space<vmem>>) dst(%dma_wait3A_131 : memref<128x128xf32, #tpu.memory_space<hbm>>)
        tpu.yield
      }) : () -> ()
      %add3A_93 = arith.constant 2 : i32
      %add3A_94 = arith.addi %mul3A_39, %add3A_93 : i32
      %add3A_95 = arith.constant 4 : i32
      %add3A_96 = arith.addi %add3A_94, %add3A_95 : i32
      %lt3A_97 = arith.constant 20 : i32
      %lt3A_98 = arith.cmpi slt, %add3A_96, %lt3A_97 : i32
      %convert_element_type3A_99 = arith.extui %lt3A_98 : i1 to i32
      %cond3A_100 = arith.constant 0 : i32
      %cond3A_101 = arith.cmpi ne, %convert_element_type3A_99, %cond3A_100 : i32
      scf.if %cond3A_101 {
        %add3A_124 = arith.constant 2 : i32
        %add3A_125 = arith.addi %mul3A_39, %add3A_124 : i32
        %add3A_126 = arith.constant 4 : i32
        %add3A_127 = arith.addi %add3A_125, %add3A_126 : i32
        %dma_start3A_128 = arith.constant 0 : i32
        %dma_start3A_129 = tpu.memref_slice %arg5[%add3A_127, %dma_start3A_128] : memref<20x128xi32, #tpu.memory_space<vmem>> -> memref<1x128xi32, #tpu.memory_space<vmem>>
        %dma_start3A_130 = tpu.memref_squeeze %dma_start3A_129 : memref<1x128xi32, #tpu.memory_space<vmem>> -> memref<128xi32, #tpu.memory_space<vmem>>
        %dma_start3A_131 = arith.constant 0 : i32
        %dma_start3A_132 = arith.constant 0 : i32
        %dma_start3A_133 = tpu.memref_slice %arg2[%dma_start3A_131, %dma_start3A_132] : memref<10000x128xf32, #tpu.memory_space<hbm>> -> memref<10000x128xf32, #tpu.memory_space<hbm>>
        tpu.enqueue_indirect_dma source(%dma_start3A_133 : memref<10000x128xf32, #tpu.memory_space<hbm>>) target(%arg8 : memref<128x128xf32, #tpu.memory_space<vmem>>) offsets(%dma_start3A_130 : memref<128xi32, #tpu.memory_space<vmem>>) semaphore(%arg12 : memref<!tpu.dma_semaphore, #tpu.memory_space<semaphore_mem>>)
      } else {
      }
      %add3A_102 = arith.constant 3 : i32
      %add3A_103 = arith.addi %mul3A_39, %add3A_102 : i32
      %dma_wait3A_104 = arith.constant 0 : i32
      %dma_wait3A_105 = tpu.memref_slice %arg5[%add3A_103, %dma_wait3A_104] : memref<20x128xi32, #tpu.memory_space<vmem>> -> memref<1x128xi32, #tpu.memory_space<vmem>>
      %dma_wait3A_106 = tpu.memref_squeeze %dma_wait3A_105 : memref<1x128xi32, #tpu.memory_space<vmem>> -> memref<128xi32, #tpu.memory_space<vmem>>
      %dma_wait3A_107 = arith.constant 0 : i32
      %dma_wait3A_108 = arith.constant 0 : i32
      %dma_wait3A_109 = tpu.memref_slice %arg2[%dma_wait3A_107, %dma_wait3A_108] : memref<10000x128xf32, #tpu.memory_space<hbm>> -> memref<10000x128xf32, #tpu.memory_space<hbm>>
      tpu.wait_indirect_dma semaphore(%arg13 : memref<!tpu.dma_semaphore, #tpu.memory_space<semaphore_mem>>) src(%dma_wait3A_109 : memref<10000x128xf32, #tpu.memory_space<hbm>>) dst(%arg9 : memref<128x128xf32, #tpu.memory_space<vmem>>)
      %add3A_110 = arith.constant 3 : i32
      %add3A_111 = arith.addi %mul3A_39, %add3A_110 : i32
      %mul3A_112 = arith.constant 128 : i32
      %mul3A_113 = arith.muli %add3A_111, %mul3A_112 : i32
      %add3A_114 = arith.addi %mul3A_4, %mul3A_113 : i32
      "tpu.region"() ({
        %run_scoped3A = tpu.sem_alloc : memref<!tpu.dma_semaphore, #tpu.memory_space<semaphore_mem>>
        %dma_start3A_124 = arith.constant 0 : i32
        %dma_start3A_125 = tpu.memref_slice %arg4[%add3A_114, %dma_start3A_124] : memref<81920x128xf32, #tpu.memory_space<hbm>> -> memref<128x128xf32, #tpu.memory_space<hbm>>
        %dma_start3A_126 = arith.constant 0 : i32
        %dma_start3A_127 = tpu.memref_slice %arg4[%add3A_114, %dma_start3A_126] : memref<81920x128xf32, #tpu.memory_space<hbm>> -> memref<128x128xf32, #tpu.memory_space<hbm>>
        tpu.enqueue_dma source(%arg9 : memref<128x128xf32, #tpu.memory_space<vmem>>) target(%dma_start3A_127 : memref<128x128xf32, #tpu.memory_space<hbm>>) target_semaphore(%run_scoped3A : memref<!tpu.dma_semaphore, #tpu.memory_space<semaphore_mem>>)
        %dma_wait3A_128 = arith.constant 0 : i32
        %dma_wait3A_129 = tpu.memref_slice %arg4[%add3A_114, %dma_wait3A_128] : memref<81920x128xf32, #tpu.memory_space<hbm>> -> memref<128x128xf32, #tpu.memory_space<hbm>>
        %dma_wait3A_130 = arith.constant 0 : i32
        %dma_wait3A_131 = tpu.memref_slice %arg4[%add3A_114, %dma_wait3A_130] : memref<81920x128xf32, #tpu.memory_space<hbm>> -> memref<128x128xf32, #tpu.memory_space<hbm>>
        tpu.wait_dma2 semaphore(%run_scoped3A : memref<!tpu.dma_semaphore, #tpu.memory_space<semaphore_mem>>) src(%arg9 : memref<128x128xf32, #tpu.memory_space<vmem>>) dst(%dma_wait3A_131 : memref<128x128xf32, #tpu.memory_space<hbm>>)
        tpu.yield
      }) : () -> ()
      %add3A_115 = arith.constant 3 : i32
      %add3A_116 = arith.addi %mul3A_39, %add3A_115 : i32
      %add3A_117 = arith.constant 4 : i32
      %add3A_118 = arith.addi %add3A_116, %add3A_117 : i32
      %lt3A_119 = arith.constant 20 : i32
      %lt3A_120 = arith.cmpi slt, %add3A_118, %lt3A_119 : i32
      %convert_element_type3A_121 = arith.extui %lt3A_120 : i1 to i32
      %cond3A_122 = arith.constant 0 : i32
      %cond3A_123 = arith.cmpi ne, %convert_element_type3A_121, %cond3A_122 : i32
      scf.if %cond3A_123 {
        %add3A_124 = arith.constant 3 : i32
        %add3A_125 = arith.addi %mul3A_39, %add3A_124 : i32
        %add3A_126 = arith.constant 4 : i32
        %add3A_127 = arith.addi %add3A_125, %add3A_126 : i32
        %dma_start3A_128 = arith.constant 0 : i32
        %dma_start3A_129 = tpu.memref_slice %arg5[%add3A_127, %dma_start3A_128] : memref<20x128xi32, #tpu.memory_space<vmem>> -> memref<1x128xi32, #tpu.memory_space<vmem>>
        %dma_start3A_130 = tpu.memref_squeeze %dma_start3A_129 : memref<1x128xi32, #tpu.memory_space<vmem>> -> memref<128xi32, #tpu.memory_space<vmem>>
        %dma_start3A_131 = arith.constant 0 : i32
        %dma_start3A_132 = arith.constant 0 : i32
        %dma_start3A_133 = tpu.memref_slice %arg2[%dma_start3A_131, %dma_start3A_132] : memref<10000x128xf32, #tpu.memory_space<hbm>> -> memref<10000x128xf32, #tpu.memory_space<hbm>>
        tpu.enqueue_indirect_dma source(%dma_start3A_133 : memref<10000x128xf32, #tpu.memory_space<hbm>>) target(%arg9 : memref<128x128xf32, #tpu.memory_space<vmem>>) offsets(%dma_start3A_130 : memref<128xi32, #tpu.memory_space<vmem>>) semaphore(%arg13 : memref<!tpu.dma_semaphore, #tpu.memory_space<semaphore_mem>>)
      } else {
      }
    }
    %scan3A_36 = arith.constant 5 : i32
    return
  }
}

</mosaic_0001>

<sc_bundles>
// kernel: _sc_gather.3.cloned.1.call-start
scs
__scs_entry_jumppad:
0x0: {  	(pc) =	sbr.rel $0x88, $3  }
0x1: {  	(tag) =	ssettag $0x0;
	lr =	simm.s32 $0x1  }
0x2: {  	[smem:$0x3F9F] =	sst lr;
	_ =	strace $0xD0000000  }
0x3: {  	_ = 	snop  }
0x4: {  	_ = 	snop  }
0x5: {  	_ = 	snop  }
0x6: {  	_ = 	snop  }
0x7: {  	_ = 	snop  }
__scs_overlays_trampoline_lowered:
0x8: {  	[smem:$0x3FAE] =	sst s0  }
0x9: {  	[smem:$0x3FAF] =	sst s1  }
0xa: {  	[smem:$0x3FB0] =	sst s2  }
0xb: {  	[smem:$0x3FB1] =	sst s3  }
0xc: {  	[smem:$0x3FB2] =	sst s4  }
0xd: {  	[smem:$0x3FB3] =	sst s5  }
0xe: {  	[smem:$0x3FB4] =	sst s6  }
0xf: {  	[smem:$0x3FB5] =	sst s7  }
0x10: {  	[smem:$0x3FB6] =	sst s8  }
0x11: {  	[smem:$0x3FB7] =	sst s9;
	s0 =	simm.s32 @!p0 $0x0  }
0x12: {  	s1 =	sld [smem:$0x3F9D];
	s0 =	simm.s32 @p0 $0x1  }
0x13: {  	[smem:$0x3FB8] =	sst s0;
	s0 =	simm.s32 @!p1 $0x0  }
0x14: {  	s2 =	sld [smem:$0x3F9C];
	s0 =	simm.s32 @p1 $0x1  }
0x15: {  	[smem:$0x3FB9] =	sst s0;
	s0 =	simm.s32 @!p2 $0x0  }
0x16: {  	s3 =	sld [smem:$0x3FDB];
	s0 =	simm.s32 @p2 $0x1  }
0x17: {  	s4 =	simm.s32 $0x1BF5;
	[smem:$0x3FBB] =	sst s0  }
0x18: {  	s0 =	sld [smem:$0x3F9E];
	_ =	swait.ge [sflag:s4], $0x0  }
0x19: {  	s7 =	sld [smem:$0x3F9F]  }
0x1a: {  	s8 =	sadd.s32 $0xFFFFE003, lr  }
0x1b: {  	s9 =	sadd.s32 $0xFFFFFEF7, lr;
	s5 =	simm.s32 $0xFFFFFFFF;
	p2 =	slt.u32 s8, $0xFFFFF086  }
0x1c: {  	p1 =	slt.u32 s9, $0xF7A;
	s5 =	simm.s32 @!p2 $0x0  }
0x1d: {  	s5 =	simm.s32 @p1 $0x1;
	p0 =	seq.s32 s7, s2  }
0x1e: {  	s7 =	smul.u32 @!p0 $0xF7A, s2;
	p2 =	seq.s32 @!p0 s5, $0x0  }
0x1f: {  	s9 =	smul.u32 $0xF7A, s1;
	s8 =	simm.s32 @!p0 $0x1BF5;
	p2 =	por !p2, p0  }
0x20: {  	[sflag:s8] =	ssyncset.s32 @!p0 $0xFFFFF086;
	s6 =	sadd.s32 @!p0 s3, s7;
	s7 =	simm.s32 @!p0 $0x108  }
0x21: {  	s3 =	sadd.s32 s3, s9;
	s6 =	sadd.s32 @!p0 $0x88, s6;
	s7 =	simm.s32 @p2 $0x1082  }
0x22: {  	[simem:s7], [sflag:s8] =	dma.local @!p0 [hbm:s6], $0xF7A  }
0x23: {  	s9 =	sor.u32 $0xD0000000, s2;
	s6 =	simm.s32 $0x108;
	_ =	swait.ge @!p0 [sflag:s8], $0x0  }
0x24: {  	s3 =	sadd.s32 $0x88, s3;
	s6 =	simm.s32 @!p1 $0x1082;
	[sflag:s4] =	ssyncset.s32 $0xFFFFF086  }
0x25: {  	[simem:s6], [sflag:s4] =	dma.local [hbm:s3], $0xF7A  }
0x26: {  	[smem:$0x3F9F] =	sst s1;
	(tag) =	ssettag s2;
	_ =	strace s9  }
0x27: {  	s1 =	sld [smem:$0x3FAF]  }
0x28: {  	s2 =	sld [smem:$0x3FB0]  }
0x29: {  	s4 =	sld [smem:$0x3FB2]  }
0x2a: {  	p0 =	seq.s32 s5, $0x0;
	s5 =	sld [smem:$0x3FB3]  }
0x2b: {  	s6 =	sld [smem:$0x3FB4]  }
0x2c: {  	s7 =	sld [smem:$0x3FB5]  }
0x2d: {  	s3 =	simm.s32 $0x108;
	s8 =	sld [smem:$0x3FB6]  }
0x2e: {  	s3 =	simm.s32 @!p0 $0x1082;
	s9 =	sld [smem:$0x3FB7]  }
0x2f: {  	lr =	sadd.s32 s0, s3;
	s0 =	sld [smem:$0x3FAE]  }
0x30: {  	s3 =	sld [smem:$0x3FB1]  }
0x31: {  	[smem:$0x3FBA] =	sst s10  }
0x32: {  	s10 =	sld [smem:$0x3FB8];
	_ =	sdelay $0x3  }
0x33: {  	p0 =	seq.s32 s10, $0x1;
	s10 =	sld [smem:$0x3FBA];
	_ =	sdelay $0x3  }
0x34: {  	[smem:$0x3FBA] =	sst s10  }
0x35: {  	s10 =	sld [smem:$0x3FB9];
	_ =	sdelay $0x3  }
0x36: {  	p1 =	seq.s32 s10, $0x1;
	s10 =	sld [smem:$0x3FBA];
	_ =	sdelay $0x3  }
0x37: {  	[smem:$0x3FBA] =	sst s10  }
0x38: {  	s10 =	sld [smem:$0x3FBB]  }
0x39: {  	_ = 	snop;
	(pc) =	sbr.ind lr, $3  }
0x3a: {  	_ = 	snop  }
0x3b: {  	_ = 	snop  }
0x3c: {  	p2 =	seq.s32 s10, $0x1;
	s10 =	sld [smem:$0x3FBA]  }
0x3d: {  	_ =	shalt  }
0x3e: {  	_ =	shalt  }
0x3f: {  	_ =	shalt  }
0x40: {  	_ =	shalt  }
0x41: {  	_ =	shalt  }
0x42: {  	_ =	shalt  }
0x43: {  	_ =	shalt  }
0x44: {  	_ =	shalt  }
0x45: {  	_ =	shalt  }
0x46: {  	_ =	shalt  }
0x47: {  	_ =	shalt  }
0x48: {  	_ =	shalt  }
0x49: {  	_ =	shalt  }
0x4a: {  	_ =	shalt  }
0x4b: {  	_ =	shalt  }
0x4c: {  	_ =	shalt  }
0x4d: {  	_ =	shalt  }
0x4e: {  	_ =	shalt  }
0x4f: {  	_ =	shalt  }
0x50: {  	_ =	shalt  }
0x51: {  	_ =	shalt  }
0x52: {  	_ =	shalt  }
0x53: {  	_ =	shalt  }
0x54: {  	_ =	shalt  }
0x55: {  	_ =	shalt  }
0x56: {  	_ =	shalt  }
0x57: {  	_ =	shalt  }
0x58: {  	_ =	shalt  }
0x59: {  	_ =	shalt  }
0x5a: {  	_ =	shalt  }
0x5b: {  	_ =	shalt  }
0x5c: {  	_ =	shalt  }
0x5d: {  	_ =	shalt  }
0x5e: {  	_ =	shalt  }
0x5f: {  	_ =	shalt  }
0x60: {  	_ =	shalt  }
0x61: {  	_ =	shalt  }
0x62: {  	_ =	shalt  }
0x63: {  	_ =	shalt  }
0x64: {  	_ =	shalt  }
0x65: {  	_ =	shalt  }
0x66: {  	_ =	shalt  }
0x67: {  	_ =	shalt  }
0x68: {  	_ =	shalt  }
0x69: {  	_ =	shalt  }
0x6a: {  	_ =	shalt  }
0x6b: {  	_ =	shalt  }
0x6c: {  	_ =	shalt  }
0x6d: {  	_ =	shalt  }
0x6e: {  	_ =	shalt  }
0x6f: {  	_ =	shalt  }
0x70: {  	_ =	shalt  }
0x71: {  	_ =	shalt  }
0x72: {  	_ =	shalt  }
0x73: {  	_ =	shalt  }
0x74: {  	_ =	shalt  }
0x75: {  	_ =	shalt  }
0x76: {  	_ =	shalt  }
0x77: {  	_ =	shalt  }
0x78: {  	_ =	shalt  }
0x79: {  	_ =	shalt  }
0x7a: {  	_ =	shalt  }
0x7b: {  	_ =	shalt  }
0x7c: {  	_ =	shalt  }
0x7d: {  	_ =	shalt  }
0x7e: {  	_ =	shalt  }
0x7f: {  	_ =	shalt  }
0x80: {  	_ =	shalt  }
0x81: {  	_ =	shalt  }
0x82: {  	_ =	shalt  }
0x83: {  	_ =	shalt  }
0x84: {  	_ =	shalt  }
0x85: {  	_ =	shalt  }
0x86: {  	_ =	shalt  }
0x87: {  	_ =	shalt  }
.Lfunc_end0:
.L_simem_size_0:
called_computation_lowered:
.L_overlay_start_0:
0x88: {  	s2 =	sld [smem:$0x3FD9]  }
0x89: {  	s3 =	sld [smem:$0x3FFE];
	_ =	sdelay $0x1  }
0x8a: {  	s1 =	srdreg.scid  }
0x8b: {  	s0 =	sand.u32 $0x1, s1  }
0x8c: {  	s17 =	sshll.u32 s0, $0xA;
	s2 =	sadd.s32 s3, s2  }
0x8d: {  	s2 =	sadd.s32 s2, s17  }
0x8e: {  	[smem:$0x3FC6] =	sst s2  }
0x8f: {  	_ = 	snop  }
0x90: {  	s2 =	sld [smem:$0x3FC9]  }
0x91: {  	s18 =	sld [smem:$0x3FD0];
	(tm) =	ssettm $0x1  }
0x92: {  	s4 =	sld [smem:$0x3FFB];
	_ =	sdelay $0x3  }
0x93: {  	_ =	strace s4  }
0x94: {  	s4 =	sld [smem:$0x3FFC];
	_ =	sdelay $0x3  }
0x95: {  	_ =	strace s4  }
0x96: {  	s4 =	sld [smem:$0x3FFD];
	_ =	sdelay $0x3  }
0x97: {  	_ =	strace s4  }
0x98: {  	_ =	strace $0x8FFFFFFF  }
0x99: {  	s19 =	sld [smem:$0x3FDB];
	_ =	sdelay $0x1  }
0x9a: {  	s5 =	simm.s32 $_scs_section_size  }
0x9b: {  	s6 =	simm.s32 $_size__tile_overlayer_lowered;
	s7 =	simm.s32 $_tile_overlayer_lowered  }
0x9c: {  	s22 =	simm.s32 $0x1BFF;
	s21 =	sshll.u32 s7, $0x1;
	s4 =	sadd.s32 s5, s19  }
0x9d: {  	s8 =	simm.s32 $0x0;
	s20 =	sshll.u32 s6, $0x1;
	s6 =	sadd.s32 s21, s4  }
0x9e: {  	[timem:s8], [sflag:s22] =	dma.local [hbm:s6], s20  }
0x9f: {  	_ =	swait.ge [sflag:s22], s20  }
0xa0: {  	s5 =	ssub.s32 $0x0, s20;
	[sflag:s22] =	ssyncset.done $0x0  }
0xa1: {  	[sflag:s22] =	ssyncadd.s32 s5;
	_ =	sdelay $0x1  }
0xa2: {  	s23 =	simm.s32 $0x1B8B  }
0xa3: {  	_ =	swait.ge [sflag:s23], $0x1  }
0xa4: {  	[sflag:s23] =	ssyncset.done $0x0  }
0xa5: {  	s25 =	simm.s32 $0x1B8E;
	s24 =	sld [smem:$0x3FFE];
	[sflag:s23] =	ssyncadd.s32 $0xFFFFFFFF  }
0xa6: {  	s26 =	simm.s32 $execute0_lowered;
	[smem:$0x3FD2] =	sst s25  }
0xa7: {  	s6 =	sshll.u32 s26, $0x1;
	_ =	strace $0x80000046;
	[dreg:$0x1] =	wrdreg $0xFFFFFFFF  }
0xa8: {  	s28 =	simm.s32 $_size_execute0_lowered;
	s4 =	sadd.s32 s4, s6;
	[dreg:$0x0] =	wrdreg $0x0  }
0xa9: {  	s6 =	sshll.u32 s28, $0x1;
	[dreg:$0x2] =	wrdreg s4  }
0xaa: {  	[dreg:$0x3] =	wrdreg s6  }
0xab: {  	[dreg:$0x4] =	wrdreg $0xC0  }
0xac: {  	_ =	task [dreg:s8], $0x5FFFF  }
0xad: {  	[dreg:$0x1] =	wrdreg $0xFFFFFFFF  }
0xae: {  	[dreg:$0x0] =	wrdreg $0x60  }
0xaf: {  	[dreg:$0x2] =	wrdreg s2  }
0xb0: {  	[dreg:$0x3] =	wrdreg s24  }
0xb1: {  	[dreg:$0x4] =	wrdreg s18  }
0xb2: {  	[dreg:$0x5] =	wrdreg $0x9  }
0xb3: {  	_ =	task.clear_ibuf [dreg:s8], $0x6FFFF;
	_ =	strace $0x90000046  }
0xb4: {  	s29 =	simm.s32 $0x9;
	_ =	strace $0x80000048  }
0xb5: {  	_ =	swait.ge [sflag:s29], $0x1  }
0xb6: {  	[sflag:s29] =	ssyncadd.s32 $0xFFFFFFFF  }
0xb7: {  	_ =	strace $0x90000048  }
0xb8: {  	_ =	sfence  }
0xb9: {  	s30 =	sld [smem:$0x0];
	_ =	sdelay $0x2  }
0xba: {  	s31 =	sshll.u32 s1, $0xD;
	s1 =	sshrl.u32 s1, $0x2  }
0xbb: {  	s3 =	sand.u32 $0x4000, s31;
	s1 =	sadd.s32 s1, s30  }
0xbc: {  	s0 =	sor.u32 s3, s0;
	s1 =	sshll.u32 s1, $0x11  }
0xbd: {  	s0 =	sor.u32 s1, s0  }
0xbe: {  	s0 =	sadd.s32 $0x8F2B, s0  }
0xbf: {  	[sflag:s0] =	ssyncadd.remote.s32 $0x1  }
0xc0: {  	_ =	sfence.sel $0xFFFF  }
0xc1: {  	[dreg:$0x0] =	wrdreg $0xFFFFFFFF;
	(pc) =	sbr.abs _section_cstart, $3  }
0xc2: {  	[dreg:$0x1] =	wrdreg $0xFFFFFFFF  }
0xc3: {  	_ =	task.clear_ibuf [dreg:s8], $0x2FFFF;
	_ =	strace $0x9FFFFFFF  }
0xc4: {  	(tm) =	ssettm $0x7FFFFFFF  }
0xc5: {  	_ =	shalt  }
tec
execute0_lowered:
.L_overlay_start_1:
0x0: {  	(tag) =	ssettag $0x1  }
0x1: {  	s1 =	rddreg [dreg:$0x0]  }
0x2: {  	s2 =	srdreg.scid;
	s4 =	rddreg [dreg:$0x1]  }
0x3: {  	s0 =	stileid.u32;
	s10 =	rddreg [dreg:$0x2];
	s3 =	simm.s32 $0x0  }
0x4: {  	s15 =	simm.s32 $0x80;
	s16 =	simm.s32 $0xA00;
	s17 =	simm.s32 $0x4A00  }
0x5: {  	s18 =	simm.s32 $0x100;
	s19 =	simm.s32 $0x8A00;
	s12 =	smul.u32 $0xA0000, s0  }
0x6: {  	s20 =	simm.s32 $0x180;
	s6 =	sand.u32 $0x1, s2;
	s26 =	smul.u32 $0x1400, s0  }
0x7: {  	s21 =	simm.s32 $0xCA00;
	s22 =	sshll.u32 s0, $0x1;
	s28 =	smul.u32 $0xA00, s6  }
0x8: {  	[smem:$0x7FF] =	sst s3;
	s5 =	sor.u32 s6, s22;
	s13 =	smul.u32 $0x50000, s6  }
0x9: {  	_ =	strace $0x80000047;
	s9 =	ssub.s32 $0x2, s6;
	s7 =	smul.u32 $0xA00, s5  }
0xa: {  	s22 =	simm.s32 $0x1;
	s8 =	smul.u32 $0x50000, s5;
	s24 =	sshrl.u32 s9, $0x1  }
0xb: {  	s11 =	smul.u32 $0xA000, s5;
	s25 =	ssub.s32 s9, s24;
	s29 =	sadd.s32 s28, s26  }
0xc: {  	s30 =	sadd.s32 s13, s12;
	s24 =	simm.s32 $0x3;
	s26 =	simm.s32 $0x0  }
0xd: {  	s23 =	sshrl.u32 s7, $0x3;
	s8 =	sshrl.u32 s8, $0x3;
	s5 =	smax.u32 s25, $0x1  }
0xe: {  	s11 =	sadd.s32 s10, s11;
	s31 =	sshll.u32 s29, $0x4;
	s13 =	sshrl.u32 s30, $0x3  }
0xf: {  	s25 =	simm.s32 $0x4;
	s4 =	sadd.s32 s23, s4;
	s8 =	sadd.s32 s10, s8  }
0x10: {  	s7 =	sadd.s32 $0x8800, s11;
	s14 =	sadd.s32 s31, s10;
	s9 =	sadd.s32 $0x9800, s11  }
0x11: {  	s10 =	sadd.s32 s13, s10;
	s23 =	simm.s32 $0x2;
	s4 =	sadd.s32 $0x400, s4  }
0x12: {  	s6 =	sadd.s32 $0x8000, s8;
	s8 =	sadd.s32 $0x9000, s11;
	s11 =	sadd.s32 $0x1800, s14  }
0x13: {  	s12 =	sadd.s32 $0x1000, s14;
	s13 =	sadd.s32 $0x800, s14;
	s14 =	simm.s32 $0x5  }
.LBB2_1:
0x14: {  	[tilespmem:s3], [sflag:$0x5] =	stream.linear.gather [hbm4b:s4+s3], $0xA00, $0x38;
	[tilespmem:$0x10A00] =	vst v63  }
0x15: {  	_ =	swait.ge [sflag:s14], $0xA00  }
0x16: {  	[sflag:s14] =	ssyncset.done $0x0  }
0x17: {  	[sflag:s14] =	ssyncadd.s32 $0xFFFFF600  }
0x18: {  	[tilespmem:s16], [sflag:$0x1] =	stream.indirect.gather [hbm4b:s1+s15], $0x80, s3, s15, $0xb8;
	[tilespmem:$0x10A00] =	vst v63  }
0x19: {  	_ = 	snop  }
0x1a: {  	[tilespmem:s17], [sflag:$0x2] =	stream.indirect.gather [hbm4b:s1+s15], $0x80, s15, s15, $0xb8;
	[tilespmem:$0x10A00] =	vst v63  }
0x1b: {  	_ = 	snop  }
0x1c: {  	[tilespmem:s19], [sflag:$0x3] =	stream.indirect.gather [hbm4b:s1+s15], $0x80, s18, s15, $0xb8;
	[tilespmem:$0x10A00] =	vst v63  }
0x1d: {  	_ = 	snop  }
0x1e: {  	[tilespmem:s21], [sflag:$0x4] =	stream.indirect.gather [hbm4b:s1+s15], $0x80, s20, s15, $0xb8;
	[tilespmem:$0x10A00] =	vst v63  }
0x1f: {  	_ =	swait.ge [sflag:s22], $0x4000  }
0x20: {  	[sflag:s22] =	ssyncset.done $0x0  }
0x21: {  	s28 =	sadd.s32 $0x0, s10;
	[sflag:s22] =	ssyncadd.s32 $0xFFFFC000  }
0x22: {  	[hbm4b:s28+s3] =	stream.linear.scatter [tilespmem:s16], [sflag:$0x5], $0x4000, $0x38;
	[tilespmem:$0x10A00] =	vst v63  }
0x23: {  	_ =	swait.ge [sflag:s14], $0x4000  }
0x24: {  	[sflag:s14] =	ssyncset.done $0x0  }
0x25: {  	s28 =	simm.s32 $0x200;
	[sflag:s14] =	ssyncadd.s32 $0xFFFFC000  }
0x26: {  	[tilespmem:s16], [sflag:$0x1] =	stream.indirect.gather [hbm4b:s1+s15], $0x80, s28, s15, $0xb8;
	[tilespmem:$0x10A00] =	vst v63  }
0x27: {  	_ =	swait.ge [sflag:s23], $0x4000  }
0x28: {  	[sflag:s23] =	ssyncset.done $0x0  }
0x29: {  	s28 =	sadd.s32 $0x0, s13;
	[sflag:s23] =	ssyncadd.s32 $0xFFFFC000  }
0x2a: {  	[hbm4b:s28+s3] =	stream.linear.scatter [tilespmem:s17], [sflag:$0x5], $0x4000, $0x38;
	[tilespmem:$0x10A00] =	vst v63  }
0x2b: {  	_ =	swait.ge [sflag:s14], $0x4000  }
0x2c: {  	[sflag:s14] =	ssyncset.done $0x0  }
0x2d: {  	s28 =	simm.s32 $0x280;
	[sflag:s14] =	ssyncadd.s32 $0xFFFFC000  }
0x2e: {  	[tilespmem:s17], [sflag:$0x2] =	stream.indirect.gather [hbm4b:s1+s15], $0x80, s28, s15, $0xb8;
	[tilespmem:$0x10A00] =	vst v63  }
0x2f: {  	_ =	swait.ge [sflag:s24], $0x4000  }
0x30: {  	[sflag:s24] =	ssyncset.done $0x0  }
0x31: {  	s28 =	sadd.s32 $0x0, s12;
	[sflag:s24] =	ssyncadd.s32 $0xFFFFC000  }
0x32: {  	[hbm4b:s28+s3] =	stream.linear.scatter [tilespmem:s19], [sflag:$0x5], $0x4000, $0x38;
	[tilespmem:$0x10A00] =	vst v63  }
0x33: {  	_ =	swait.ge [sflag:s14], $0x4000  }
0x34: {  	[sflag:s14] =	ssyncset.done $0x0  }
0x35: {  	s28 =	simm.s32 $0x300;
	[sflag:s14] =	ssyncadd.s32 $0xFFFFC000  }
0x36: {  	[tilespmem:s19], [sflag:$0x3] =	stream.indirect.gather [hbm4b:s1+s15], $0x80, s28, s15, $0xb8;
	[tilespmem:$0x10A00] =	vst v63  }
0x37: {  	_ =	swait.ge [sflag:s25], $0x4000  }
0x38: {  	[sflag:s25] =	ssyncset.done $0x0  }
0x39: {  	s28 =	sadd.s32 $0x0, s11;
	[sflag:s25] =	ssyncadd.s32 $0xFFFFC000  }
0x3a: {  	[hbm4b:s28+s3] =	stream.linear.scatter [tilespmem:s21], [sflag:$0x5], $0x4000, $0x38;
	[tilespmem:$0x10A00] =	vst v63  }
0x3b: {  	_ =	swait.ge [sflag:s14], $0x4000  }
0x3c: {  	s29 =	simm.s32 $0x2000;
	[sflag:s14] =	ssyncset.done $0x0  }
0x3d: {  	s30 =	simm.s32 $0x580;
	s28 =	simm.s32 $0x380;
	[sflag:s14] =	ssyncadd.s32 $0xFFFFC000  }
.LBB2_2:
0x3e: {  	[tilespmem:s21], [sflag:$0x4] =	stream.indirect.gather [hbm4b:s1+s15], $0x80, s28, s15, $0xb8;
	[tilespmem:$0x10A00] =	vst v63  }
0x3f: {  	s31 =	smov.u32 s29;
	s28 =	smov.u32 s30  }
0x40: {  	p0 =	sne.s32 s29, $0x6000;
	s29 =	sadd.s32 $0x2000, s29;
	_ =	swait.ge [sflag:s22], $0x4000  }
0x41: {  	[sflag:s22] =	ssyncset.done $0x0  }
0x42: {  	s2 =	sadd.s32 s31, s10;
	[sflag:s22] =	ssyncadd.s32 $0xFFFFC000  }
0x43: {  	[hbm4b:s2+s3] =	stream.linear.scatter [tilespmem:s16], [sflag:$0x5], $0x4000, $0x38;
	[tilespmem:$0x10A00] =	vst v63  }
0x44: {  	_ =	swait.ge [sflag:s14], $0x4000  }
0x45: {  	[sflag:s14] =	ssyncset.done $0x0  }
0x46: {  	s2 =	sadd.s32 $0xFFFFFE80, s30;
	[sflag:s14] =	ssyncadd.s32 $0xFFFFC000  }
0x47: {  	[tilespmem:s16], [sflag:$0x1] =	stream.indirect.gather [hbm4b:s1+s15], $0x80, s2, s15, $0xb8;
	[tilespmem:$0x10A00] =	vst v63  }
0x48: {  	_ =	swait.ge [sflag:s23], $0x4000  }
0x49: {  	[sflag:s23] =	ssyncset.done $0x0  }
0x4a: {  	s2 =	sadd.s32 s31, s13;
	[sflag:s23] =	ssyncadd.s32 $0xFFFFC000  }
0x4b: {  	[hbm4b:s2+s3] =	stream.linear.scatter [tilespmem:s17], [sflag:$0x5], $0x4000, $0x38;
	[tilespmem:$0x10A00] =	vst v63  }
0x4c: {  	_ =	swait.ge [sflag:s14], $0x4000  }
0x4d: {  	[sflag:s14] =	ssyncset.done $0x0  }
0x4e: {  	s2 =	sadd.s32 $0xFFFFFF00, s30;
	[sflag:s14] =	ssyncadd.s32 $0xFFFFC000  }
0x4f: {  	[tilespmem:s17], [sflag:$0x2] =	stream.indirect.gather [hbm4b:s1+s15], $0x80, s2, s15, $0xb8;
	[tilespmem:$0x10A00] =	vst v63  }
0x50: {  	_ =	swait.ge [sflag:s24], $0x4000  }
0x51: {  	[sflag:s24] =	ssyncset.done $0x0  }
0x52: {  	s2 =	sadd.s32 s31, s12;
	[sflag:s24] =	ssyncadd.s32 $0xFFFFC000  }
0x53: {  	[hbm4b:s2+s3] =	stream.linear.scatter [tilespmem:s19], [sflag:$0x5], $0x4000, $0x38;
	[tilespmem:$0x10A00] =	vst v63  }
0x54: {  	_ =	swait.ge [sflag:s14], $0x4000  }
0x55: {  	[sflag:s14] =	ssyncset.done $0x0  }
0x56: {  	s2 =	sadd.s32 $0xFFFFFF80, s30;
	[sflag:s14] =	ssyncadd.s32 $0xFFFFC000  }
0x57: {  	[tilespmem:s19], [sflag:$0x3] =	stream.indirect.gather [hbm4b:s1+s15], $0x80, s2, s15, $0xb8;
	[tilespmem:$0x10A00] =	vst v63  }
0x58: {  	_ =	swait.ge [sflag:s25], $0x4000  }
0x59: {  	[sflag:s25] =	ssyncset.done $0x0  }
.Ltmp0:
0x5a: {  	s2 =	sadd.s32 s31, s11;
	[sflag:s25] =	ssyncadd.s32 $0xFFFFC000;
	(pc) =	sbr.rel @p0 .LBB2_2-.Ltmp0, $4  }
0x5b: {  	[hbm4b:s2+s3] =	stream.linear.scatter [tilespmem:s21], [sflag:$0x5], $0x4000, $0x38;
	[tilespmem:$0x10A00] =	vst v63  }
0x5c: {  	_ =	swait.ge [sflag:s14], $0x4000  }
0x5d: {  	[sflag:s14] =	ssyncset.done $0x0  }
0x5e: {  	s30 =	sadd.s32 $0x200, s30;
	[sflag:s14] =	ssyncadd.s32 $0xFFFFC000  }
0x5f: {  	[tilespmem:s21], [sflag:$0x4] =	stream.indirect.gather [hbm4b:s1+s15], $0x80, s28, s15, $0xb8;
	[tilespmem:$0x10A00] =	vst v63  }
0x60: {  	_ =	swait.ge [sflag:s22], $0x4000  }
0x61: {  	[sflag:s22] =	ssyncset.done $0x0  }
0x62: {  	[sflag:s22] =	ssyncadd.s32 $0xFFFFC000  }
0x63: {  	[hbm4b:s6+s3] =	stream.linear.scatter [tilespmem:s16], [sflag:$0x5], $0x4000, $0x38;
	[tilespmem:$0x10A00] =	vst v63  }
0x64: {  	_ =	swait.ge [sflag:s14], $0x4000  }
0x65: {  	[sflag:s14] =	ssyncset.done $0x0  }
0x66: {  	[sflag:s14] =	ssyncadd.s32 $0xFFFFC000  }
0x67: {  	_ =	swait.ge [sflag:s23], $0x4000  }
0x68: {  	[sflag:s23] =	ssyncset.done $0x0  }
0x69: {  	[sflag:s23] =	ssyncadd.s32 $0xFFFFC000  }
0x6a: {  	[hbm4b:s7+s3] =	stream.linear.scatter [tilespmem:s17], [sflag:$0x5], $0x4000, $0x38;
	[tilespmem:$0x10A00] =	vst v63  }
0x6b: {  	_ =	swait.ge [sflag:s14], $0x4000  }
0x6c: {  	[sflag:s14] =	ssyncset.done $0x0  }
0x6d: {  	[sflag:s14] =	ssyncadd.s32 $0xFFFFC000  }
0x6e: {  	_ =	swait.ge [sflag:s24], $0x4000  }
0x6f: {  	[sflag:s24] =	ssyncset.done $0x0  }
0x70: {  	[sflag:s24] =	ssyncadd.s32 $0xFFFFC000  }
0x71: {  	[hbm4b:s8+s3] =	stream.linear.scatter [tilespmem:s19], [sflag:$0x5], $0x4000, $0x38;
	[tilespmem:$0x10A00] =	vst v63  }
0x72: {  	_ =	swait.ge [sflag:s14], $0x4000  }
0x73: {  	[sflag:s14] =	ssyncset.done $0x0  }
0x74: {  	[sflag:s14] =	ssyncadd.s32 $0xFFFFC000  }
0x75: {  	s26 =	sadd.s32 $0x1, s26;
	_ =	swait.ge [sflag:s25], $0x4000  }
0x76: {  	p0 =	sne.s32 s26, s5;
	[sflag:s25] =	ssyncset.done $0x0  }
.Ltmp1:
0x77: {  	[sflag:s25] =	ssyncadd.s32 $0xFFFFC000;
	(pc) =	sbr.rel @p0 .LBB2_1-.Ltmp1, $4  }
0x78: {  	[hbm4b:s9+s3] =	stream.linear.scatter [tilespmem:s21], [sflag:$0x5], $0x4000, $0x38;
	[tilespmem:$0x10A00] =	vst v63  }
0x79: {  	_ =	swait.ge [sflag:s14], $0x4000  }
0x7a: {  	[sflag:s14] =	ssyncset.done $0x0  }
0x7b: {  	[sflag:s14] =	ssyncadd.s32 $0xFFFFC000  }
0x7c: {  	_ =	sfence.sel $0x180000  }
0x7d: {  	[bflag:$0x0] =	sbarrier.arrive $0xFFFF  }
0x7e: {  	_ =	strace $0x90000047  }
0x7f: {  	[bflag:$0x2] =	sbarrier.arrive $0xFFFF  }
0x80: {  	p0 =	sne.s32 s0, $0x0;
	s0 =	rddreg [dreg:$0x3]  }
0x81: {  	s0 =	sadd.s32 @!p0 $0x100000, s0  }
0x82: {  	[sflag:s0] =	ssyncadd.tile.s32 @!p0 $0x1;
	_ =	shalt  }
.Lfunc_end2:
_tile_overlayer_lowered:
.L_overlay_start_2:
0x83: {  	(tag) =	ssettag $0x2  }
0x84: {  	s0 =	rddreg [dreg:$0x0];
	s2 =	stileid.u32  }
0x85: {  	s1 =	rddreg [dreg:$0x1];
	p0 =	sne.s32 s2, $0x0  }
0x86: {  	s3 =	rddreg [dreg:$0x2];
	[bflag:$0x3] =	sbarrier.arrive $0xFFFF;
	s2 =	simm.s32 @!p0 $0x1C05  }
0x87: {  	[timem:s3], [sflag:s2] =	dma.local @!p0 [hbm:s0], s1  }
0x88: {  	s0 =	simm.s32 @!p0 $0x5  }
0x89: {  	_ =	swait.ge @!p0 [sflag:s0], s1  }
0x8a: {  	s1 =	ssub.s32 @!p0 $0x0, s1;
	[sflag:s0] =	ssyncset.done @!p0 $0x0  }
0x8b: {  	[sflag:s0] =	ssyncadd.s32 @!p0 s1  }
0x8c: {  	[bflag:$0x3] =	sbarrier.arrive $0xFFFF  }
0x8d: {  	_ =	shalt  }

</sc_bundles>
